<compile_context>
chip_gen: v7x
topology: tpu7x:2x2x1
jax: 0.10.2.dev20260603
libtpu: 0.0.44.dev20260713+nightly
codegen_flags: <defaults>
</compile_context>

<pallas_src>
import jax
import jax.numpy as jnp
from jax import lax
from jax.experimental import pallas as pl
from jax.experimental.pallas import tpu as pltpu
from jax.experimental.pallas import tpu_sc as plsc

_NC = 2
_NS = 16
_NW = _NC * _NS
_NBUF = 8


def _pool_body(x_hbm, tab_hbm, out_hbm, idx_v, rows_bufs, acc_v, sems):
    B, L = x_hbm.shape
    D = tab_hbm.shape[1]
    bpw = B // _NW
    nd = D // 16
    wid = lax.axis_index("s") * _NC + lax.axis_index("c")
    base = wid * bpw

    pltpu.sync_copy(x_hbm.at[pl.ds(base, bpw)], idx_v)

    for b in range(_NBUF):
        pltpu.async_copy(tab_hbm.at[idx_v.at[b]], rows_bufs[b], sems[b])

    @pl.loop(0, bpw // _NBUF)
    def _(blk):
        for b in range(_NBUF):
            g = blk * _NBUF + b
            pltpu.make_async_copy(tab_hbm.at[idx_v.at[g]], rows_bufs[b],
                                  sems[b]).wait()
            rows = rows_bufs[b]

            def body(l, accs):
                return tuple(a + rows[l, pl.ds(c * 16, 16)]
                             for c, a in enumerate(accs))

            accs = lax.fori_loop(
                0, L, body,
                tuple(jnp.zeros((16,), jnp.float32) for _ in range(nd)))
            for c in range(nd):
                acc_v[g, pl.ds(c * 16, 16)] = accs[c]

            @pl.when(g + _NBUF < bpw)
            def _():
                pltpu.async_copy(tab_hbm.at[idx_v.at[g + _NBUF]], rows_bufs[b],
                                 sems[b])

    pltpu.sync_copy(acc_v, out_hbm.at[pl.ds(base, bpw)])


def _pool(x, emb_table):
    B, L = x.shape
    D = emb_table.shape[1]
    bpw = B // _NW
    mesh = plsc.VectorSubcoreMesh(core_axis_name="c", subcore_axis_name="s")

    def body(x_hbm, tab_hbm, out_hbm, idx_v, *rest):
        rows_bufs = rest[:_NBUF]
        acc_v = rest[_NBUF]
        sems = rest[_NBUF + 1:]
        _pool_body(x_hbm, tab_hbm, out_hbm, idx_v, rows_bufs, acc_v, sems)

    return pl.kernel(
        body,
        out_type=jax.ShapeDtypeStruct((B, D), jnp.float32),
        mesh=mesh,
        scratch_types=(
            [pltpu.VMEM((bpw, L), jnp.int32)]
            + [pltpu.VMEM((L, D), jnp.float32) for _ in range(_NBUF)]
            + [pltpu.VMEM((bpw, D), jnp.float32)]
            + [pltpu.SemaphoreType.DMA for _ in range(_NBUF)]
        ),
    )(x, emb_table)


def _mlp_body(s_ref, w1_ref, b1_ref, w2_ref, b2_ref, o_ref):
    hT = lax.dot_general(w1_ref[...], s_ref[...], (((0,), (1,)), ((), ())),
                         preferred_element_type=jnp.float32) + b1_ref[...]
    o_ref[...] = lax.dot_general(w2_ref[...], hT, (((0,), (0,)), ((), ())),
                                 preferred_element_type=jnp.float32) + b2_ref[...]


def _mlp(s, W1, b1, W2, b2):
    B, E = s.shape
    H = W1.shape[1]
    T = W2.shape[1]
    BT = 512
    outT = pl.pallas_call(
        _mlp_body,
        grid=(B // BT,),
        in_specs=[
            pl.BlockSpec((BT, E), lambda i: (i, 0)),
            pl.BlockSpec((E, H), lambda i: (0, 0)),
            pl.BlockSpec((H, 1), lambda i: (0, 0)),
            pl.BlockSpec((H, T), lambda i: (0, 0)),
            pl.BlockSpec((T, 1), lambda i: (0, 0)),
        ],
        out_specs=pl.BlockSpec((T, BT), lambda i: (0, i)),
        out_shape=jax.ShapeDtypeStruct((T, B), jnp.float32),
    )(s, W1, b1.reshape(H, 1), W2, b2.reshape(T, 1))
    return outT.T


def kernel(x, emb_table, W1, b1, W2, b2):
    s = _pool(x.astype(jnp.int32), emb_table)
    return _mlp(s, W1, b1, W2, b2)

# --- scband reference (transcript-rebuilt; emitter-appended) ---
"""Pipeline reference for scband-mlp-3659312136736 (READ-ONLY COPY).

The authoritative reference and input builder live on the scoring server;
editing this copy changes nothing except your own understanding.
"""

import jax, jax.numpy as jnp
import numpy as np

VOCAB = 100000
EMB = 128
HID = 128
TGT = 1000
B = 4096
L = 50

def setup_inputs(seed: int = 0) -> dict:
    key = jax.random.key(seed)
    k0, k1, k2, k3, k4, k5 = jax.random.split(key, 6)
    x = jax.random.randint(k0, (B, L), 0, VOCAB, dtype=jnp.int64) if jax.config.jax_enable_x64 else jax.random.randint(k0, (B, L), 0, VOCAB, dtype=jnp.int32)
    emb_table = jax.random.normal(k1, (VOCAB, EMB), dtype=jnp.float32)
    W1 = jax.random.normal(k2, (EMB, HID), dtype=jnp.float32) * (1.0 / np.sqrt(EMB))
    b1 = jax.random.normal(k3, (HID,), dtype=jnp.float32) * 0.01
    W2 = jax.random.normal(k4, (HID, TGT), dtype=jnp.float32) * (1.0 / np.sqrt(HID))
    b2 = jax.random.normal(k5, (TGT,), dtype=jnp.float32) * 0.01
    return {"x": x, "emb_table": emb_table, "W1": W1, "b1": b1, "W2": W2, "b2": b2}

def reference(x, emb_table, W1, b1, W2, b2):
    # emb_lookup
    e = jnp.take(emb_table, x, axis=0)  # [B, L, EMB]
    # sum over sequence dim
    s = jnp.sum(e, axis=1)  # [B, EMB]
    # emb2hidden
    h = s @ W1 + b1  # [B, HID]
    # n_layers == 3 -> map_layers is None, skip
    # hidden2tag
    out = h @ W2 + b2  # [B, TGT]
    return out

if __name__ == "__main__":
    import jax
    _d = setup_inputs()
    print(jax.jit(kernel)(*tuple(_d.values())))

</pallas_src>

<mosaic_0001>
#map = affine_map<(d0, d1) -> (0, 0)>
module attributes {stable_mosaic.version = 14 : i64} {
  func.func @body(%arg0: i32, %arg1: i32, %arg2: memref<4096x50xi32, #tpu.memory_space<hbm>>, %arg3: memref<100000x128xf32, #tpu.memory_space<hbm>>, %arg4: memref<4096x128xf32, #tpu.memory_space<hbm>>, %arg5: memref<128x50xi32, #tpu.memory_space<vmem>>, %arg6: memref<50x128xf32, #tpu.memory_space<vmem>>, %arg7: memref<50x128xf32, #tpu.memory_space<vmem>>, %arg8: memref<50x128xf32, #tpu.memory_space<vmem>>, %arg9: memref<50x128xf32, #tpu.memory_space<vmem>>, %arg10: memref<50x128xf32, #tpu.memory_space<vmem>>, %arg11: memref<50x128xf32, #tpu.memory_space<vmem>>, %arg12: memref<50x128xf32, #tpu.memory_space<vmem>>, %arg13: memref<50x128xf32, #tpu.memory_space<vmem>>, %arg14: memref<128x128xf32, #tpu.memory_space<vmem>>, %arg15: memref<!tpu.dma_semaphore, #tpu.memory_space<semaphore_mem>>, %arg16: memref<!tpu.dma_semaphore, #tpu.memory_space<semaphore_mem>>, %arg17: memref<!tpu.dma_semaphore, #tpu.memory_space<semaphore_mem>>, %arg18: memref<!tpu.dma_semaphore, #tpu.memory_space<semaphore_mem>>, %arg19: memref<!tpu.dma_semaphore, #tpu.memory_space<semaphore_mem>>, %arg20: memref<!tpu.dma_semaphore, #tpu.memory_space<semaphore_mem>>, %arg21: memref<!tpu.dma_semaphore, #tpu.memory_space<semaphore_mem>>, %arg22: memref<!tpu.dma_semaphore, #tpu.memory_space<semaphore_mem>>) attributes {dimension_semantics = [#tpu.dimension_semantics<core_parallel>, #tpu.dimension_semantics<subcore_parallel>], iteration_bounds = array<i64: 2, 16>, scalar_prefetch = 0 : i64, scratch_operands = 18 : i64, tpu.core_type = #tpu.core_type<sc_vector_subcore>, window_params = [{transform_indices = #map}, {transform_indices = #map}, {transform_indices = #map}]} {
    %mul3A = arith.constant 2 : i32
    %mul3A_0 = arith.muli %arg1, %mul3A : i32
    %add3A = arith.addi %mul3A_0, %arg0 : i32
    %mul3A_1 = arith.constant 128 : i32
    %mul3A_2 = arith.muli %add3A, %mul3A_1 : i32
    "tpu.region"() ({
      %run_scoped3A = tpu.sem_alloc : memref<!tpu.dma_semaphore, #tpu.memory_space<semaphore_mem>>
      %dma_start3A_62 = arith.constant 0 : i32
      %dma_start3A_63 = tpu.memref_slice %arg2[%mul3A_2, %dma_start3A_62] : memref<4096x50xi32, #tpu.memory_space<hbm>> -> memref<128x50xi32, #tpu.memory_space<hbm>>
      %dma_start3A_64 = arith.constant 0 : i32
      %dma_start3A_65 = tpu.memref_slice %arg2[%mul3A_2, %dma_start3A_64] : memref<4096x50xi32, #tpu.memory_space<hbm>> -> memref<128x50xi32, #tpu.memory_space<hbm>>
      tpu.enqueue_dma source(%dma_start3A_65 : memref<128x50xi32, #tpu.memory_space<hbm>>) target(%arg5 : memref<128x50xi32, #tpu.memory_space<vmem>>) target_semaphore(%run_scoped3A : memref<!tpu.dma_semaphore, #tpu.memory_space<semaphore_mem>>)
      %dma_wait3A = arith.constant 0 : i32
      %dma_wait3A_66 = tpu.memref_slice %arg2[%mul3A_2, %dma_wait3A] : memref<4096x50xi32, #tpu.memory_space<hbm>> -> memref<128x50xi32, #tpu.memory_space<hbm>>
      %dma_wait3A_67 = arith.constant 0 : i32
      %dma_wait3A_68 = tpu.memref_slice %arg2[%mul3A_2, %dma_wait3A_67] : memref<4096x50xi32, #tpu.memory_space<hbm>> -> memref<128x50xi32, #tpu.memory_space<hbm>>
      tpu.wait_dma2 semaphore(%run_scoped3A : memref<!tpu.dma_semaphore, #tpu.memory_space<semaphore_mem>>) src(%dma_wait3A_68 : memref<128x50xi32, #tpu.memory_space<hbm>>) dst(%arg5 : memref<128x50xi32, #tpu.memory_space<vmem>>)
      tpu.yield
    }) : () -> ()
    %dma_start3A = arith.constant 0 : i32
    %dma_start3A_3 = arith.constant 0 : i32
    %dma_start3A_4 = tpu.memref_slice %arg5[%dma_start3A, %dma_start3A_3] : memref<128x50xi32, #tpu.memory_space<vmem>> -> memref<1x50xi32, #tpu.memory_space<vmem>>
    %dma_start3A_5 = tpu.memref_squeeze %dma_start3A_4 : memref<1x50xi32, #tpu.memory_space<vmem>> -> memref<50xi32, #tpu.memory_space<vmem>>
    %dma_start3A_6 = arith.constant 0 : i32
    %dma_start3A_7 = arith.constant 0 : i32
    %dma_start3A_8 = tpu.memref_slice %arg3[%dma_start3A_6, %dma_start3A_7] : memref<100000x128xf32, #tpu.memory_space<hbm>> -> memref<100000x128xf32, #tpu.memory_space<hbm>>
    tpu.enqueue_indirect_dma source(%dma_start3A_8 : memref<100000x128xf32, #tpu.memory_space<hbm>>) target(%arg6 : memref<50x128xf32, #tpu.memory_space<vmem>>) offsets(%dma_start3A_5 : memref<50xi32, #tpu.memory_space<vmem>>) semaphore(%arg15 : memref<!tpu.dma_semaphore, #tpu.memory_space<semaphore_mem>>)
    %dma_start3A_9 = arith.constant 1 : i32
    %dma_start3A_10 = arith.constant 0 : i32
    %dma_start3A_11 = tpu.memref_slice %arg5[%dma_start3A_9, %dma_start3A_10] : memref<128x50xi32, #tpu.memory_space<vmem>> -> memref<1x50xi32, #tpu.memory_space<vmem>>
    %dma_start3A_12 = tpu.memref_squeeze %dma_start3A_11 : memref<1x50xi32, #tpu.memory_space<vmem>> -> memref<50xi32, #tpu.memory_space<vmem>>
    %dma_start3A_13 = arith.constant 0 : i32
    %dma_start3A_14 = arith.constant 0 : i32
    %dma_start3A_15 = tpu.memref_slice %arg3[%dma_start3A_13, %dma_start3A_14] : memref<100000x128xf32, #tpu.memory_space<hbm>> -> memref<100000x128xf32, #tpu.memory_space<hbm>>
    tpu.enqueue_indirect_dma source(%dma_start3A_15 : memref<100000x128xf32, #tpu.memory_space<hbm>>) target(%arg7 : memref<50x128xf32, #tpu.memory_space<vmem>>) offsets(%dma_start3A_12 : memref<50xi32, #tpu.memory_space<vmem>>) semaphore(%arg16 : memref<!tpu.dma_semaphore, #tpu.memory_space<semaphore_mem>>)
    %dma_start3A_16 = arith.constant 2 : i32
    %dma_start3A_17 = arith.constant 0 : i32
    %dma_start3A_18 = tpu.memref_slice %arg5[%dma_start3A_16, %dma_start3A_17] : memref<128x50xi32, #tpu.memory_space<vmem>> -> memref<1x50xi32, #tpu.memory_space<vmem>>
    %dma_start3A_19 = tpu.memref_squeeze %dma_start3A_18 : memref<1x50xi32, #tpu.memory_space<vmem>> -> memref<50xi32, #tpu.memory_space<vmem>>
    %dma_start3A_20 = arith.constant 0 : i32
    %dma_start3A_21 = arith.constant 0 : i32
    %dma_start3A_22 = tpu.memref_slice %arg3[%dma_start3A_20, %dma_start3A_21] : memref<100000x128xf32, #tpu.memory_space<hbm>> -> memref<100000x128xf32, #tpu.memory_space<hbm>>
    tpu.enqueue_indirect_dma source(%dma_start3A_22 : memref<100000x128xf32, #tpu.memory_space<hbm>>) target(%arg8 : memref<50x128xf32, #tpu.memory_space<vmem>>) offsets(%dma_start3A_19 : memref<50xi32, #tpu.memory_space<vmem>>) semaphore(%arg17 : memref<!tpu.dma_semaphore, #tpu.memory_space<semaphore_mem>>)
    %dma_start3A_23 = arith.constant 3 : i32
    %dma_start3A_24 = arith.constant 0 : i32
    %dma_start3A_25 = tpu.memref_slice %arg5[%dma_start3A_23, %dma_start3A_24] : memref<128x50xi32, #tpu.memory_space<vmem>> -> memref<1x50xi32, #tpu.memory_space<vmem>>
    %dma_start3A_26 = tpu.memref_squeeze %dma_start3A_25 : memref<1x50xi32, #tpu.memory_space<vmem>> -> memref<50xi32, #tpu.memory_space<vmem>>
    %dma_start3A_27 = arith.constant 0 : i32
    %dma_start3A_28 = arith.constant 0 : i32
    %dma_start3A_29 = tpu.memref_slice %arg3[%dma_start3A_27, %dma_start3A_28] : memref<100000x128xf32, #tpu.memory_space<hbm>> -> memref<100000x128xf32, #tpu.memory_space<hbm>>
    tpu.enqueue_indirect_dma source(%dma_start3A_29 : memref<100000x128xf32, #tpu.memory_space<hbm>>) target(%arg9 : memref<50x128xf32, #tpu.memory_space<vmem>>) offsets(%dma_start3A_26 : memref<50xi32, #tpu.memory_space<vmem>>) semaphore(%arg18 : memref<!tpu.dma_semaphore, #tpu.memory_space<semaphore_mem>>)
    %dma_start3A_30 = arith.constant 4 : i32
    %dma_start3A_31 = arith.constant 0 : i32
    %dma_start3A_32 = tpu.memref_slice %arg5[%dma_start3A_30, %dma_start3A_31] : memref<128x50xi32, #tpu.memory_space<vmem>> -> memref<1x50xi32, #tpu.memory_space<vmem>>
    %dma_start3A_33 = tpu.memref_squeeze %dma_start3A_32 : memref<1x50xi32, #tpu.memory_space<vmem>> -> memref<50xi32, #tpu.memory_space<vmem>>
    %dma_start3A_34 = arith.constant 0 : i32
    %dma_start3A_35 = arith.constant 0 : i32
    %dma_start3A_36 = tpu.memref_slice %arg3[%dma_start3A_34, %dma_start3A_35] : memref<100000x128xf32, #tpu.memory_space<hbm>> -> memref<100000x128xf32, #tpu.memory_space<hbm>>
    tpu.enqueue_indirect_dma source(%dma_start3A_36 : memref<100000x128xf32, #tpu.memory_space<hbm>>) target(%arg10 : memref<50x128xf32, #tpu.memory_space<vmem>>) offsets(%dma_start3A_33 : memref<50xi32, #tpu.memory_space<vmem>>) semaphore(%arg19 : memref<!tpu.dma_semaphore, #tpu.memory_space<semaphore_mem>>)
    %dma_start3A_37 = arith.constant 5 : i32
    %dma_start3A_38 = arith.constant 0 : i32
    %dma_start3A_39 = tpu.memref_slice %arg5[%dma_start3A_37, %dma_start3A_38] : memref<128x50xi32, #tpu.memory_space<vmem>> -> memref<1x50xi32, #tpu.memory_space<vmem>>
    %dma_start3A_40 = tpu.memref_squeeze %dma_start3A_39 : memref<1x50xi32, #tpu.memory_space<vmem>> -> memref<50xi32, #tpu.memory_space<vmem>>
    %dma_start3A_41 = arith.constant 0 : i32
    %dma_start3A_42 = arith.constant 0 : i32
    %dma_start3A_43 = tpu.memref_slice %arg3[%dma_start3A_41, %dma_start3A_42] : memref<100000x128xf32, #tpu.memory_space<hbm>> -> memref<100000x128xf32, #tpu.memory_space<hbm>>
    tpu.enqueue_indirect_dma source(%dma_start3A_43 : memref<100000x128xf32, #tpu.memory_space<hbm>>) target(%arg11 : memref<50x128xf32, #tpu.memory_space<vmem>>) offsets(%dma_start3A_40 : memref<50xi32, #tpu.memory_space<vmem>>) semaphore(%arg20 : memref<!tpu.dma_semaphore, #tpu.memory_space<semaphore_mem>>)
    %dma_start3A_44 = arith.constant 6 : i32
    %dma_start3A_45 = arith.constant 0 : i32
    %dma_start3A_46 = tpu.memref_slice %arg5[%dma_start3A_44, %dma_start3A_45] : memref<128x50xi32, #tpu.memory_space<vmem>> -> memref<1x50xi32, #tpu.memory_space<vmem>>
    %dma_start3A_47 = tpu.memref_squeeze %dma_start3A_46 : memref<1x50xi32, #tpu.memory_space<vmem>> -> memref<50xi32, #tpu.memory_space<vmem>>
    %dma_start3A_48 = arith.constant 0 : i32
    %dma_start3A_49 = arith.constant 0 : i32
    %dma_start3A_50 = tpu.memref_slice %arg3[%dma_start3A_48, %dma_start3A_49] : memref<100000x128xf32, #tpu.memory_space<hbm>> -> memref<100000x128xf32, #tpu.memory_space<hbm>>
    tpu.enqueue_indirect_dma source(%dma_start3A_50 : memref<100000x128xf32, #tpu.memory_space<hbm>>) target(%arg12 : memref<50x128xf32, #tpu.memory_space<vmem>>) offsets(%dma_start3A_47 : memref<50xi32, #tpu.memory_space<vmem>>) semaphore(%arg21 : memref<!tpu.dma_semaphore, #tpu.memory_space<semaphore_mem>>)
    %dma_start3A_51 = arith.constant 7 : i32
    %dma_start3A_52 = arith.constant 0 : i32
    %dma_start3A_53 = tpu.memref_slice %arg5[%dma_start3A_51, %dma_start3A_52] : memref<128x50xi32, #tpu.memory_space<vmem>> -> memref<1x50xi32, #tpu.memory_space<vmem>>
    %dma_start3A_54 = tpu.memref_squeeze %dma_start3A_53 : memref<1x50xi32, #tpu.memory_space<vmem>> -> memref<50xi32, #tpu.memory_space<vmem>>
    %dma_start3A_55 = arith.constant 0 : i32
    %dma_start3A_56 = arith.constant 0 : i32
    %dma_start3A_57 = tpu.memref_slice %arg3[%dma_start3A_55, %dma_start3A_56] : memref<100000x128xf32, #tpu.memory_space<hbm>> -> memref<100000x128xf32, #tpu.memory_space<hbm>>
    tpu.enqueue_indirect_dma source(%dma_start3A_57 : memref<100000x128xf32, #tpu.memory_space<hbm>>) target(%arg13 : memref<50x128xf32, #tpu.memory_space<vmem>>) offsets(%dma_start3A_54 : memref<50xi32, #tpu.memory_space<vmem>>) semaphore(%arg22 : memref<!tpu.dma_semaphore, #tpu.memory_space<semaphore_mem>>)
    %scan3A = arith.constant 0 : i32
    %scan3A_58 = arith.constant 16 : i32
    %scan3A_59 = arith.addi %scan3A, %scan3A_58 : i32
    %scan3A_60 = arith.constant 1 : i32
    scf.for %scan3A_62 = %scan3A to %scan3A_59 step %scan3A_60  : i32 {
      %mul3A_63 = arith.constant 1 : i32
      %mul3A_64 = arith.muli %scan3A_62, %mul3A_63 : i32
      %add3A_65 = arith.constant 0 : i32
      %add3A_66 = arith.addi %add3A_65, %mul3A_64 : i32
      %mul3A_67 = arith.constant 8 : i32
      %mul3A_68 = arith.muli %add3A_66, %mul3A_67 : i32
      %add3A_69 = arith.constant 0 : i32
      %add3A_70 = arith.addi %mul3A_68, %add3A_69 : i32
      %dma_wait3A = arith.constant 0 : i32
      %dma_wait3A_71 = tpu.memref_slice %arg5[%add3A_70, %dma_wait3A] : memref<128x50xi32, #tpu.memory_space<vmem>> -> memref<1x50xi32, #tpu.memory_space<vmem>>
      %dma_wait3A_72 = tpu.memref_squeeze %dma_wait3A_71 : memref<1x50xi32, #tpu.memory_space<vmem>> -> memref<50xi32, #tpu.memory_space<vmem>>
      %dma_wait3A_73 = arith.constant 0 : i32
      %dma_wait3A_74 = arith.constant 0 : i32
      %dma_wait3A_75 = tpu.memref_slice %arg3[%dma_wait3A_73, %dma_wait3A_74] : memref<100000x128xf32, #tpu.memory_space<hbm>> -> memref<100000x128xf32, #tpu.memory_space<hbm>>
      tpu.wait_indirect_dma semaphore(%arg15 : memref<!tpu.dma_semaphore, #tpu.memory_space<semaphore_mem>>) src(%dma_wait3A_75 : memref<100000x128xf32, #tpu.memory_space<hbm>>) dst(%arg6 : memref<50x128xf32, #tpu.memory_space<vmem>>)
      %broadcast_in_dim3A = arith.constant 0.000000e+00 : f32
      %broadcast_in_dim3A_76 = vector.broadcast %broadcast_in_dim3A : f32 to vector<16xf32>
      %broadcast_in_dim3A_77 = arith.constant 0.000000e+00 : f32
      %broadcast_in_dim3A_78 = vector.broadcast %broadcast_in_dim3A_77 : f32 to vector<16xf32>
      %broadcast_in_dim3A_79 = arith.constant 0.000000e+00 : f32
      %broadcast_in_dim3A_80 = vector.broadcast %broadcast_in_dim3A_79 : f32 to vector<16xf32>
      %broadcast_in_dim3A_81 = arith.constant 0.000000e+00 : f32
      %broadcast_in_dim3A_82 = vector.broadcast %broadcast_in_dim3A_81 : f32 to vector<16xf32>
      %broadcast_in_dim3A_83 = arith.constant 0.000000e+00 : f32
      %broadcast_in_dim3A_84 = vector.broadcast %broadcast_in_dim3A_83 : f32 to vector<16xf32>
      %broadcast_in_dim3A_85 = arith.constant 0.000000e+00 : f32
      %broadcast_in_dim3A_86 = vector.broadcast %broadcast_in_dim3A_85 : f32 to vector<16xf32>
      %broadcast_in_dim3A_87 = arith.constant 0.000000e+00 : f32
      %broadcast_in_dim3A_88 = vector.broadcast %broadcast_in_dim3A_87 : f32 to vector<16xf32>
      %broadcast_in_dim3A_89 = arith.constant 0.000000e+00 : f32
      %broadcast_in_dim3A_90 = vector.broadcast %broadcast_in_dim3A_89 : f32 to vector<16xf32>
      %scan3A_91 = arith.constant 0 : i32
      %scan3A_92 = arith.constant 50 : i32
      %scan3A_93 = arith.addi %scan3A_91, %scan3A_92 : i32
      %scan3A_94 = arith.constant 1 : i32
      %scan3A_95:8 = scf.for %scan3A_693 = %scan3A_91 to %scan3A_93 step %scan3A_94 iter_args(%scan3A_694 = %broadcast_in_dim3A_76, %scan3A_695 = %broadcast_in_dim3A_78, %scan3A_696 = %broadcast_in_dim3A_80, %scan3A_697 = %broadcast_in_dim3A_82, %scan3A_698 = %broadcast_in_dim3A_84, %scan3A_699 = %broadcast_in_dim3A_86, %scan3A_700 = %broadcast_in_dim3A_88, %scan3A_701 = %broadcast_in_dim3A_90) -> (vector<16xf32>, vector<16xf32>, vector<16xf32>, vector<16xf32>, vector<16xf32>, vector<16xf32>, vector<16xf32>, vector<16xf32>)  : i32 {
        %get3A = arith.index_cast %scan3A_693 : i32 to index
        %get3A_702 = arith.constant 0 : index
        %get3A_703 = tpu.vector_load %arg6[%get3A, %get3A_702] {strides = array<i32>} : memref<50x128xf32, #tpu.memory_space<vmem>>, vector<1x16xf32>,
        %get3A_704 = vector.shape_cast %get3A_703 : vector<1x16xf32> to vector<16xf32>
        %add3A_705 = arith.addf %scan3A_694, %get3A_704 : vector<16xf32>
        %get3A_706 = arith.index_cast %scan3A_693 : i32 to index
        %get3A_707 = arith.constant 16 : index
        %get3A_708 = tpu.vector_load %arg6[%get3A_706, %get3A_707] {strides = array<i32>} : memref<50x128xf32, #tpu.memory_space<vmem>>, vector<1x16xf32>,
        %get3A_709 = vector.shape_cast %get3A_708 : vector<1x16xf32> to vector<16xf32>
        %add3A_710 = arith.addf %scan3A_695, %get3A_709 : vector<16xf32>
        %get3A_711 = arith.index_cast %scan3A_693 : i32 to index
        %get3A_712 = arith.constant 32 : index
        %get3A_713 = tpu.vector_load %arg6[%get3A_711, %get3A_712] {strides = array<i32>} : memref<50x128xf32, #tpu.memory_space<vmem>>, vector<1x16xf32>,
        %get3A_714 = vector.shape_cast %get3A_713 : vector<1x16xf32> to vector<16xf32>
        %add3A_715 = arith.addf %scan3A_696, %get3A_714 : vector<16xf32>
        %get3A_716 = arith.index_cast %scan3A_693 : i32 to index
        %get3A_717 = arith.constant 48 : index
        %get3A_718 = tpu.vector_load %arg6[%get3A_716, %get3A_717] {strides = array<i32>} : memref<50x128xf32, #tpu.memory_space<vmem>>, vector<1x16xf32>,
        %get3A_719 = vector.shape_cast %get3A_718 : vector<1x16xf32> to vector<16xf32>
        %add3A_720 = arith.addf %scan3A_697, %get3A_719 : vector<16xf32>
        %get3A_721 = arith.index_cast %scan3A_693 : i32 to index
        %get3A_722 = arith.constant 64 : index
        %get3A_723 = tpu.vector_load %arg6[%get3A_721, %get3A_722] {strides = array<i32>} : memref<50x128xf32, #tpu.memory_space<vmem>>, vector<1x16xf32>,
        %get3A_724 = vector.shape_cast %get3A_723 : vector<1x16xf32> to vector<16xf32>
        %add3A_725 = arith.addf %scan3A_698, %get3A_724 : vector<16xf32>
        %get3A_726 = arith.index_cast %scan3A_693 : i32 to index
        %get3A_727 = arith.constant 80 : index
        %get3A_728 = tpu.vector_load %arg6[%get3A_726, %get3A_727] {strides = array<i32>} : memref<50x128xf32, #tpu.memory_space<vmem>>, vector<1x16xf32>,
        %get3A_729 = vector.shape_cast %get3A_728 : vector<1x16xf32> to vector<16xf32>
        %add3A_730 = arith.addf %scan3A_699, %get3A_729 : vector<16xf32>
        %get3A_731 = arith.index_cast %scan3A_693 : i32 to index
        %get3A_732 = arith.constant 96 : index
        %get3A_733 = tpu.vector_load %arg6[%get3A_731, %get3A_732] {strides = array<i32>} : memref<50x128xf32, #tpu.memory_space<vmem>>, vector<1x16xf32>,
        %get3A_734 = vector.shape_cast %get3A_733 : vector<1x16xf32> to vector<16xf32>
        %add3A_735 = arith.addf %scan3A_700, %get3A_734 : vector<16xf32>
        %get3A_736 = arith.index_cast %scan3A_693 : i32 to index
        %get3A_737 = arith.constant 112 : index
        %get3A_738 = tpu.vector_load %arg6[%get3A_736, %get3A_737] {strides = array<i32>} : memref<50x128xf32, #tpu.memory_space<vmem>>, vector<1x16xf32>,
        %get3A_739 = vector.shape_cast %get3A_738 : vector<1x16xf32> to vector<16xf32>
        %add3A_740 = arith.addf %scan3A_701, %get3A_739 : vector<16xf32>
        scf.yield %add3A_705, %add3A_710, %add3A_715, %add3A_720, %add3A_725, %add3A_730, %add3A_735, %add3A_740 : vector<16xf32>, vector<16xf32>, vector<16xf32>, vector<16xf32>, vector<16xf32>, vector<16xf32>, vector<16xf32>, vector<16xf32>
      }
      %scan3A_96 = arith.constant 50 : i32
      %swap3A = arith.index_cast %add3A_70 : i32 to index
      %swap3A_97 = arith.constant 0 : index
      %swap3A_98 = tpu.vector_load %arg14[%swap3A, %swap3A_97] {strides = array<i32>} : memref<128x128xf32, #tpu.memory_space<vmem>>, vector<1x16xf32>,
      %swap3A_99 = vector.shape_cast %swap3A_98 : vector<1x16xf32> to vector<16xf32>
      %swap3A_100 = vector.shape_cast %scan3A_95#0 : vector<16xf32> to vector<1x16xf32>
      tpu.vector_store %arg14[%swap3A, %swap3A_97], %swap3A_100 {strides = array<i32>} : memref<128x128xf32, #tpu.memory_space<vmem>>, vector<1x16xf32>,
      %swap3A_101 = arith.index_cast %add3A_70 : i32 to index
      %swap3A_102 = arith.constant 16 : index
      %swap3A_103 = tpu.vector_load %arg14[%swap3A_101, %swap3A_102] {strides = array<i32>} : memref<128x128xf32, #tpu.memory_space<vmem>>, vector<1x16xf32>,
      %swap3A_104 = vector.shape_cast %swap3A_103 : vector<1x16xf32> to vector<16xf32>
      %swap3A_105 = vector.shape_cast %scan3A_95#1 : vector<16xf32> to vector<1x16xf32>
      tpu.vector_store %arg14[%swap3A_101, %swap3A_102], %swap3A_105 {strides = array<i32>} : memref<128x128xf32, #tpu.memory_space<vmem>>, vector<1x16xf32>,
      %swap3A_106 = arith.index_cast %add3A_70 : i32 to index
      %swap3A_107 = arith.constant 32 : index
      %swap3A_108 = tpu.vector_load %arg14[%swap3A_106, %swap3A_107] {strides = array<i32>} : memref<128x128xf32, #tpu.memory_space<vmem>>, vector<1x16xf32>,
      %swap3A_109 = vector.shape_cast %swap3A_108 : vector<1x16xf32> to vector<16xf32>
      %swap3A_110 = vector.shape_cast %scan3A_95#2 : vector<16xf32> to vector<1x16xf32>
      tpu.vector_store %arg14[%swap3A_106, %swap3A_107], %swap3A_110 {strides = array<i32>} : memref<128x128xf32, #tpu.memory_space<vmem>>, vector<1x16xf32>,
      %swap3A_111 = arith.index_cast %add3A_70 : i32 to index
      %swap3A_112 = arith.constant 48 : index
      %swap3A_113 = tpu.vector_load %arg14[%swap3A_111, %swap3A_112] {strides = array<i32>} : memref<128x128xf32, #tpu.memory_space<vmem>>, vector<1x16xf32>,
      %swap3A_114 = vector.shape_cast %swap3A_113 : vector<1x16xf32> to vector<16xf32>
      %swap3A_115 = vector.shape_cast %scan3A_95#3 : vector<16xf32> to vector<1x16xf32>
      tpu.vector_store %arg14[%swap3A_111, %swap3A_112], %swap3A_115 {strides = array<i32>} : memref<128x128xf32, #tpu.memory_space<vmem>>, vector<1x16xf32>,
      %swap3A_116 = arith.index_cast %add3A_70 : i32 to index
      %swap3A_117 = arith.constant 64 : index
      %swap3A_118 = tpu.vector_load %arg14[%swap3A_116, %swap3A_117] {strides = array<i32>} : memref<128x128xf32, #tpu.memory_space<vmem>>, vector<1x16xf32>,
      %swap3A_119 = vector.shape_cast %swap3A_118 : vector<1x16xf32> to vector<16xf32>
      %swap3A_120 = vector.shape_cast %scan3A_95#4 : vector<16xf32> to vector<1x16xf32>
      tpu.vector_store %arg14[%swap3A_116, %swap3A_117], %swap3A_120 {strides = array<i32>} : memref<128x128xf32, #tpu.memory_space<vmem>>, vector<1x16xf32>,
      %swap3A_121 = arith.index_cast %add3A_70 : i32 to index
      %swap3A_122 = arith.constant 80 : index
      %swap3A_123 = tpu.vector_load %arg14[%swap3A_121, %swap3A_122] {strides = array<i32>} : memref<128x128xf32, #tpu.memory_space<vmem>>, vector<1x16xf32>,
      %swap3A_124 = vector.shape_cast %swap3A_123 : vector<1x16xf32> to vector<16xf32>
      %swap3A_125 = vector.shape_cast %scan3A_95#5 : vector<16xf32> to vector<1x16xf32>
      tpu.vector_store %arg14[%swap3A_121, %swap3A_122], %swap3A_125 {strides = array<i32>} : memref<128x128xf32, #tpu.memory_space<vmem>>, vector<1x16xf32>,
      %swap3A_126 = arith.index_cast %add3A_70 : i32 to index
      %swap3A_127 = arith.constant 96 : index
      %swap3A_128 = tpu.vector_load %arg14[%swap3A_126, %swap3A_127] {strides = array<i32>} : memref<128x128xf32, #tpu.memory_space<vmem>>, vector<1x16xf32>,
      %swap3A_129 = vector.shape_cast %swap3A_128 : vector<1x16xf32> to vector<16xf32>
      %swap3A_130 = vector.shape_cast %scan3A_95#6 : vector<16xf32> to vector<1x16xf32>
      tpu.vector_store %arg14[%swap3A_126, %swap3A_127], %swap3A_130 {strides = array<i32>} : memref<128x128xf32, #tpu.memory_space<vmem>>, vector<1x16xf32>,
      %swap3A_131 = arith.index_cast %add3A_70 : i32 to index
      %swap3A_132 = arith.constant 112 : index
      %swap3A_133 = tpu.vector_load %arg14[%swap3A_131, %swap3A_132] {strides = array<i32>} : memref<128x128xf32, #tpu.memory_space<vmem>>, vector<1x16xf32>,
      %swap3A_134 = vector.shape_cast %swap3A_133 : vector<1x16xf32> to vector<16xf32>
      %swap3A_135 = vector.shape_cast %scan3A_95#7 : vector<16xf32> to vector<1x16xf32>
      tpu.vector_store %arg14[%swap3A_131, %swap3A_132], %swap3A_135 {strides = array<i32>} : memref<128x128xf32, #tpu.memory_space<vmem>>, vector<1x16xf32>,
      %add3A_136 = arith.constant 8 : i32
      %add3A_137 = arith.addi %add3A_70, %add3A_136 : i32
      %lt3A = arith.constant 128 : i32
      %lt3A_138 = arith.cmpi slt, %add3A_137, %lt3A : i32
      %convert_element_type3A = arith.extui %lt3A_138 : i1 to i32
      %cond3A = arith.constant 0 : i32
      %cond3A_139 = arith.cmpi ne, %convert_element_type3A, %cond3A : i32
      scf.if %cond3A_139 {
        %add3A_693 = arith.constant 8 : i32
        %add3A_694 = arith.addi %add3A_70, %add3A_693 : i32
        %dma_start3A_695 = arith.constant 0 : i32
        %dma_start3A_696 = tpu.memref_slice %arg5[%add3A_694, %dma_start3A_695] : memref<128x50xi32, #tpu.memory_space<vmem>> -> memref<1x50xi32, #tpu.memory_space<vmem>>
        %dma_start3A_697 = tpu.memref_squeeze %dma_start3A_696 : memref<1x50xi32, #tpu.memory_space<vmem>> -> memref<50xi32, #tpu.memory_space<vmem>>
        %dma_start3A_698 = arith.constant 0 : i32
        %dma_start3A_699 = arith.constant 0 : i32
        %dma_start3A_700 = tpu.memref_slice %arg3[%dma_start3A_698, %dma_start3A_699] : memref<100000x128xf32, #tpu.memory_space<hbm>> -> memref<100000x128xf32, #tpu.memory_space<hbm>>
        tpu.enqueue_indirect_dma source(%dma_start3A_700 : memref<100000x128xf32, #tpu.memory_space<hbm>>) target(%arg6 : memref<50x128xf32, #tpu.memory_space<vmem>>) offsets(%dma_start3A_697 : memref<50xi32, #tpu.memory_space<vmem>>) semaphore(%arg15 : memref<!tpu.dma_semaphore, #tpu.memory_space<semaphore_mem>>)
      } else {
      }
      %mul3A_140 = arith.constant 8 : i32
      %mul3A_141 = arith.muli %add3A_66, %mul3A_140 : i32
      %add3A_142 = arith.constant 1 : i32
      %add3A_143 = arith.addi %mul3A_141, %add3A_142 : i32
      %dma_wait3A_144 = arith.constant 0 : i32
      %dma_wait3A_145 = tpu.memref_slice %arg5[%add3A_143, %dma_wait3A_144] : memref<128x50xi32, #tpu.memory_space<vmem>> -> memref<1x50xi32, #tpu.memory_space<vmem>>
      %dma_wait3A_146 = tpu.memref_squeeze %dma_wait3A_145 : memref<1x50xi32, #tpu.memory_space<vmem>> -> memref<50xi32, #tpu.memory_space<vmem>>
      %dma_wait3A_147 = arith.constant 0 : i32
      %dma_wait3A_148 = arith.constant 0 : i32
      %dma_wait3A_149 = tpu.memref_slice %arg3[%dma_wait3A_147, %dma_wait3A_148] : memref<100000x128xf32, #tpu.memory_space<hbm>> -> memref<100000x128xf32, #tpu.memory_space<hbm>>
      tpu.wait_indirect_dma semaphore(%arg16 : memref<!tpu.dma_semaphore, #tpu.memory_space<semaphore_mem>>) src(%dma_wait3A_149 : memref<100000x128xf32, #tpu.memory_space<hbm>>) dst(%arg7 : memref<50x128xf32, #tpu.memory_space<vmem>>)
      %broadcast_in_dim3A_150 = arith.constant 0.000000e+00 : f32
      %broadcast_in_dim3A_151 = vector.broadcast %broadcast_in_dim3A_150 : f32 to vector<16xf32>
      %broadcast_in_dim3A_152 = arith.constant 0.000000e+00 : f32
      %broadcast_in_dim3A_153 = vector.broadcast %broadcast_in_dim3A_152 : f32 to vector<16xf32>
      %broadcast_in_dim3A_154 = arith.constant 0.000000e+00 : f32
      %broadcast_in_dim3A_155 = vector.broadcast %broadcast_in_dim3A_154 : f32 to vector<16xf32>
      %broadcast_in_dim3A_156 = arith.constant 0.000000e+00 : f32
      %broadcast_in_dim3A_157 = vector.broadcast %broadcast_in_dim3A_156 : f32 to vector<16xf32>
      %broadcast_in_dim3A_158 = arith.constant 0.000000e+00 : f32
      %broadcast_in_dim3A_159 = vector.broadcast %broadcast_in_dim3A_158 : f32 to vector<16xf32>
      %broadcast_in_dim3A_160 = arith.constant 0.000000e+00 : f32
      %broadcast_in_dim3A_161 = vector.broadcast %broadcast_in_dim3A_160 : f32 to vector<16xf32>
      %broadcast_in_dim3A_162 = arith.constant 0.000000e+00 : f32
      %broadcast_in_dim3A_163 = vector.broadcast %broadcast_in_dim3A_162 : f32 to vector<16xf32>
      %broadcast_in_dim3A_164 = arith.constant 0.000000e+00 : f32
      %broadcast_in_dim3A_165 = vector.broadcast %broadcast_in_dim3A_164 : f32 to vector<16xf32>
      %scan3A_166 = arith.constant 0 : i32
      %scan3A_167 = arith.constant 50 : i32
      %scan3A_168 = arith.addi %scan3A_166, %scan3A_167 : i32
      %scan3A_169 = arith.constant 1 : i32
      %scan3A_170:8 = scf.for %scan3A_693 = %scan3A_166 to %scan3A_168 step %scan3A_169 iter_args(%scan3A_694 = %broadcast_in_dim3A_151, %scan3A_695 = %broadcast_in_dim3A_153, %scan3A_696 = %broadcast_in_dim3A_155, %scan3A_697 = %broadcast_in_dim3A_157, %scan3A_698 = %broadcast_in_dim3A_159, %scan3A_699 = %broadcast_in_dim3A_161, %scan3A_700 = %broadcast_in_dim3A_163, %scan3A_701 = %broadcast_in_dim3A_165) -> (vector<16xf32>, vector<16xf32>, vector<16xf32>, vector<16xf32>, vector<16xf32>, vector<16xf32>, vector<16xf32>, vector<16xf32>)  : i32 {
        %get3A = arith.index_cast %scan3A_693 : i32 to index
        %get3A_702 = arith.constant 0 : index
        %get3A_703 = tpu.vector_load %arg7[%get3A, %get3A_702] {strides = array<i32>} : memref<50x128xf32, #tpu.memory_space<vmem>>, vector<1x16xf32>,
        %get3A_704 = vector.shape_cast %get3A_703 : vector<1x16xf32> to vector<16xf32>
        %add3A_705 = arith.addf %scan3A_694, %get3A_704 : vector<16xf32>
        %get3A_706 = arith.index_cast %scan3A_693 : i32 to index
        %get3A_707 = arith.constant 16 : index
        %get3A_708 = tpu.vector_load %arg7[%get3A_706, %get3A_707] {strides = array<i32>} : memref<50x128xf32, #tpu.memory_space<vmem>>, vector<1x16xf32>,
        %get3A_709 = vector.shape_cast %get3A_708 : vector<1x16xf32> to vector<16xf32>
        %add3A_710 = arith.addf %scan3A_695, %get3A_709 : vector<16xf32>
        %get3A_711 = arith.index_cast %scan3A_693 : i32 to index
        %get3A_712 = arith.constant 32 : index
        %get3A_713 = tpu.vector_load %arg7[%get3A_711, %get3A_712] {strides = array<i32>} : memref<50x128xf32, #tpu.memory_space<vmem>>, vector<1x16xf32>,
        %get3A_714 = vector.shape_cast %get3A_713 : vector<1x16xf32> to vector<16xf32>
        %add3A_715 = arith.addf %scan3A_696, %get3A_714 : vector<16xf32>
        %get3A_716 = arith.index_cast %scan3A_693 : i32 to index
        %get3A_717 = arith.constant 48 : index
        %get3A_718 = tpu.vector_load %arg7[%get3A_716, %get3A_717] {strides = array<i32>} : memref<50x128xf32, #tpu.memory_space<vmem>>, vector<1x16xf32>,
        %get3A_719 = vector.shape_cast %get3A_718 : vector<1x16xf32> to vector<16xf32>
        %add3A_720 = arith.addf %scan3A_697, %get3A_719 : vector<16xf32>
        %get3A_721 = arith.index_cast %scan3A_693 : i32 to index
        %get3A_722 = arith.constant 64 : index
        %get3A_723 = tpu.vector_load %arg7[%get3A_721, %get3A_722] {strides = array<i32>} : memref<50x128xf32, #tpu.memory_space<vmem>>, vector<1x16xf32>,
        %get3A_724 = vector.shape_cast %get3A_723 : vector<1x16xf32> to vector<16xf32>
        %add3A_725 = arith.addf %scan3A_698, %get3A_724 : vector<16xf32>
        %get3A_726 = arith.index_cast %scan3A_693 : i32 to index
        %get3A_727 = arith.constant 80 : index
        %get3A_728 = tpu.vector_load %arg7[%get3A_726, %get3A_727] {strides = array<i32>} : memref<50x128xf32, #tpu.memory_space<vmem>>, vector<1x16xf32>,
        %get3A_729 = vector.shape_cast %get3A_728 : vector<1x16xf32> to vector<16xf32>
        %add3A_730 = arith.addf %scan3A_699, %get3A_729 : vector<16xf32>
        %get3A_731 = arith.index_cast %scan3A_693 : i32 to index
        %get3A_732 = arith.constant 96 : index
        %get3A_733 = tpu.vector_load %arg7[%get3A_731, %get3A_732] {strides = array<i32>} : memref<50x128xf32, #tpu.memory_space<vmem>>, vector<1x16xf32>,
        %get3A_734 = vector.shape_cast %get3A_733 : vector<1x16xf32> to vector<16xf32>
        %add3A_735 = arith.addf %scan3A_700, %get3A_734 : vector<16xf32>
        %get3A_736 = arith.index_cast %scan3A_693 : i32 to index
        %get3A_737 = arith.constant 112 : index
        %get3A_738 = tpu.vector_load %arg7[%get3A_736, %get3A_737] {strides = array<i32>} : memref<50x128xf32, #tpu.memory_space<vmem>>, vector<1x16xf32>,
        %get3A_739 = vector.shape_cast %get3A_738 : vector<1x16xf32> to vector<16xf32>
        %add3A_740 = arith.addf %scan3A_701, %get3A_739 : vector<16xf32>
        scf.yield %add3A_705, %add3A_710, %add3A_715, %add3A_720, %add3A_725, %add3A_730, %add3A_735, %add3A_740 : vector<16xf32>, vector<16xf32>, vector<16xf32>, vector<16xf32>, vector<16xf32>, vector<16xf32>, vector<16xf32>, vector<16xf32>
      }
      %scan3A_171 = arith.constant 50 : i32
      %swap3A_172 = arith.index_cast %add3A_143 : i32 to index
      %swap3A_173 = arith.constant 0 : index
      %swap3A_174 = tpu.vector_load %arg14[%swap3A_172, %swap3A_173] {strides = array<i32>} : memref<128x128xf32, #tpu.memory_space<vmem>>, vector<1x16xf32>,
      %swap3A_175 = vector.shape_cast %swap3A_174 : vector<1x16xf32> to vector<16xf32>
      %swap3A_176 = vector.shape_cast %scan3A_170#0 : vector<16xf32> to vector<1x16xf32>
      tpu.vector_store %arg14[%swap3A_172, %swap3A_173], %swap3A_176 {strides = array<i32>} : memref<128x128xf32, #tpu.memory_space<vmem>>, vector<1x16xf32>,
      %swap3A_177 = arith.index_cast %add3A_143 : i32 to index
      %swap3A_178 = arith.constant 16 : index
      %swap3A_179 = tpu.vector_load %arg14[%swap3A_177, %swap3A_178] {strides = array<i32>} : memref<128x128xf32, #tpu.memory_space<vmem>>, vector<1x16xf32>,
      %swap3A_180 = vector.shape_cast %swap3A_179 : vector<1x16xf32> to vector<16xf32>
      %swap3A_181 = vector.shape_cast %scan3A_170#1 : vector<16xf32> to vector<1x16xf32>
      tpu.vector_store %arg14[%swap3A_177, %swap3A_178], %swap3A_181 {strides = array<i32>} : memref<128x128xf32, #tpu.memory_space<vmem>>, vector<1x16xf32>,
      %swap3A_182 = arith.index_cast %add3A_143 : i32 to index
      %swap3A_183 = arith.constant 32 : index
      %swap3A_184 = tpu.vector_load %arg14[%swap3A_182, %swap3A_183] {strides = array<i32>} : memref<128x128xf32, #tpu.memory_space<vmem>>, vector<1x16xf32>,
      %swap3A_185 = vector.shape_cast %swap3A_184 : vector<1x16xf32> to vector<16xf32>
      %swap3A_186 = vector.shape_cast %scan3A_170#2 : vector<16xf32> to vector<1x16xf32>
      tpu.vector_store %arg14[%swap3A_182, %swap3A_183], %swap3A_186 {strides = array<i32>} : memref<128x128xf32, #tpu.memory_space<vmem>>, vector<1x16xf32>,
      %swap3A_187 = arith.index_cast %add3A_143 : i32 to index
      %swap3A_188 = arith.constant 48 : index
      %swap3A_189 = tpu.vector_load %arg14[%swap3A_187, %swap3A_188] {strides = array<i32>} : memref<128x128xf32, #tpu.memory_space<vmem>>, vector<1x16xf32>,
      %swap3A_190 = vector.shape_cast %swap3A_189 : vector<1x16xf32> to vector<16xf32>
      %swap3A_191 = vector.shape_cast %scan3A_170#3 : vector<16xf32> to vector<1x16xf32>
      tpu.vector_store %arg14[%swap3A_187, %swap3A_188], %swap3A_191 {strides = array<i32>} : memref<128x128xf32, #tpu.memory_space<vmem>>, vector<1x16xf32>,
      %swap3A_192 = arith.index_cast %add3A_143 : i32 to index
      %swap3A_193 = arith.constant 64 : index
      %swap3A_194 = tpu.vector_load %arg14[%swap3A_192, %swap3A_193] {strides = array<i32>} : memref<128x128xf32, #tpu.memory_space<vmem>>, vector<1x16xf32>,
      %swap3A_195 = vector.shape_cast %swap3A_194 : vector<1x16xf32> to vector<16xf32>
      %swap3A_196 = vector.shape_cast %scan3A_170#4 : vector<16xf32> to vector<1x16xf32>
      tpu.vector_store %arg14[%swap3A_192, %swap3A_193], %swap3A_196 {strides = array<i32>} : memref<128x128xf32, #tpu.memory_space<vmem>>, vector<1x16xf32>,
      %swap3A_197 = arith.index_cast %add3A_143 : i32 to index
      %swap3A_198 = arith.constant 80 : index
      %swap3A_199 = tpu.vector_load %arg14[%swap3A_197, %swap3A_198] {strides = array<i32>} : memref<128x128xf32, #tpu.memory_space<vmem>>, vector<1x16xf32>,
      %swap3A_200 = vector.shape_cast %swap3A_199 : vector<1x16xf32> to vector<16xf32>
      %swap3A_201 = vector.shape_cast %scan3A_170#5 : vector<16xf32> to vector<1x16xf32>
      tpu.vector_store %arg14[%swap3A_197, %swap3A_198], %swap3A_201 {strides = array<i32>} : memref<128x128xf32, #tpu.memory_space<vmem>>, vector<1x16xf32>,
      %swap3A_202 = arith.index_cast %add3A_143 : i32 to index
      %swap3A_203 = arith.constant 96 : index
      %swap3A_204 = tpu.vector_load %arg14[%swap3A_202, %swap3A_203] {strides = array<i32>} : memref<128x128xf32, #tpu.memory_space<vmem>>, vector<1x16xf32>,
      %swap3A_205 = vector.shape_cast %swap3A_204 : vector<1x16xf32> to vector<16xf32>
      %swap3A_206 = vector.shape_cast %scan3A_170#6 : vector<16xf32> to vector<1x16xf32>
      tpu.vector_store %arg14[%swap3A_202, %swap3A_203], %swap3A_206 {strides = array<i32>} : memref<128x128xf32, #tpu.memory_space<vmem>>, vector<1x16xf32>,
      %swap3A_207 = arith.index_cast %add3A_143 : i32 to index
      %swap3A_208 = arith.constant 112 : index
      %swap3A_209 = tpu.vector_load %arg14[%swap3A_207, %swap3A_208] {strides = array<i32>} : memref<128x128xf32, #tpu.memory_space<vmem>>, vector<1x16xf32>,
      %swap3A_210 = vector.shape_cast %swap3A_209 : vector<1x16xf32> to vector<16xf32>
      %swap3A_211 = vector.shape_cast %scan3A_170#7 : vector<16xf32> to vector<1x16xf32>
      tpu.vector_store %arg14[%swap3A_207, %swap3A_208], %swap3A_211 {strides = array<i32>} : memref<128x128xf32, #tpu.memory_space<vmem>>, vector<1x16xf32>,
      %add3A_212 = arith.constant 8 : i32
      %add3A_213 = arith.addi %add3A_143, %add3A_212 : i32
      %lt3A_214 = arith.constant 128 : i32
      %lt3A_215 = arith.cmpi slt, %add3A_213, %lt3A_214 : i32
      %convert_element_type3A_216 = arith.extui %lt3A_215 : i1 to i32
      %cond3A_217 = arith.constant 0 : i32
      %cond3A_218 = arith.cmpi ne, %convert_element_type3A_216, %cond3A_217 : i32
      scf.if %cond3A_218 {
        %add3A_693 = arith.constant 8 : i32
        %add3A_694 = arith.addi %add3A_143, %add3A_693 : i32
        %dma_start3A_695 = arith.constant 0 : i32
        %dma_start3A_696 = tpu.memref_slice %arg5[%add3A_694, %dma_start3A_695] : memref<128x50xi32, #tpu.memory_space<vmem>> -> memref<1x50xi32, #tpu.memory_space<vmem>>
        %dma_start3A_697 = tpu.memref_squeeze %dma_start3A_696 : memref<1x50xi32, #tpu.memory_space<vmem>> -> memref<50xi32, #tpu.memory_space<vmem>>
        %dma_start3A_698 = arith.constant 0 : i32
        %dma_start3A_699 = arith.constant 0 : i32
        %dma_start3A_700 = tpu.memref_slice %arg3[%dma_start3A_698, %dma_start3A_699] : memref<100000x128xf32, #tpu.memory_space<hbm>> -> memref<100000x128xf32, #tpu.memory_space<hbm>>
        tpu.enqueue_indirect_dma source(%dma_start3A_700 : memref<100000x128xf32, #tpu.memory_space<hbm>>) target(%arg7 : memref<50x128xf32, #tpu.memory_space<vmem>>) offsets(%dma_start3A_697 : memref<50xi32, #tpu.memory_space<vmem>>) semaphore(%arg16 : memref<!tpu.dma_semaphore, #tpu.memory_space<semaphore_mem>>)
      } else {
      }
      %mul3A_219 = arith.constant 8 : i32
      %mul3A_220 = arith.muli %add3A_66, %mul3A_219 : i32
      %add3A_221 = arith.constant 2 : i32
      %add3A_222 = arith.addi %mul3A_220, %add3A_221 : i32
      %dma_wait3A_223 = arith.constant 0 : i32
      %dma_wait3A_224 = tpu.memref_slice %arg5[%add3A_222, %dma_wait3A_223] : memref<128x50xi32, #tpu.memory_space<vmem>> -> memref<1x50xi32, #tpu.memory_space<vmem>>
      %dma_wait3A_225 = tpu.memref_squeeze %dma_wait3A_224 : memref<1x50xi32, #tpu.memory_space<vmem>> -> memref<50xi32, #tpu.memory_space<vmem>>
      %dma_wait3A_226 = arith.constant 0 : i32
      %dma_wait3A_227 = arith.constant 0 : i32
      %dma_wait3A_228 = tpu.memref_slice %arg3[%dma_wait3A_226, %dma_wait3A_227] : memref<100000x128xf32, #tpu.memory_space<hbm>> -> memref<100000x128xf32, #tpu.memory_space<hbm>>
      tpu.wait_indirect_dma semaphore(%arg17 : memref<!tpu.dma_semaphore, #tpu.memory_space<semaphore_mem>>) src(%dma_wait3A_228 : memref<100000x128xf32, #tpu.memory_space<hbm>>) dst(%arg8 : memref<50x128xf32, #tpu.memory_space<vmem>>)
      %broadcast_in_dim3A_229 = arith.constant 0.000000e+00 : f32
      %broadcast_in_dim3A_230 = vector.broadcast %broadcast_in_dim3A_229 : f32 to vector<16xf32>
      %broadcast_in_dim3A_231 = arith.constant 0.000000e+00 : f32
      %broadcast_in_dim3A_232 = vector.broadcast %broadcast_in_dim3A_231 : f32 to vector<16xf32>
      %broadcast_in_dim3A_233 = arith.constant 0.000000e+00 : f32
      %broadcast_in_dim3A_234 = vector.broadcast %broadcast_in_dim3A_233 : f32 to vector<16xf32>
      %broadcast_in_dim3A_235 = arith.constant 0.000000e+00 : f32
      %broadcast_in_dim3A_236 = vector.broadcast %broadcast_in_dim3A_235 : f32 to vector<16xf32>
      %broadcast_in_dim3A_237 = arith.constant 0.000000e+00 : f32
      %broadcast_in_dim3A_238 = vector.broadcast %broadcast_in_dim3A_237 : f32 to vector<16xf32>
      %broadcast_in_dim3A_239 = arith.constant 0.000000e+00 : f32
      %broadcast_in_dim3A_240 = vector.broadcast %broadcast_in_dim3A_239 : f32 to vector<16xf32>
      %broadcast_in_dim3A_241 = arith.constant 0.000000e+00 : f32
      %broadcast_in_dim3A_242 = vector.broadcast %broadcast_in_dim3A_241 : f32 to vector<16xf32>
      %broadcast_in_dim3A_243 = arith.constant 0.000000e+00 : f32
      %broadcast_in_dim3A_244 = vector.broadcast %broadcast_in_dim3A_243 : f32 to vector<16xf32>
      %scan3A_245 = arith.constant 0 : i32
      %scan3A_246 = arith.constant 50 : i32
      %scan3A_247 = arith.addi %scan3A_245, %scan3A_246 : i32
      %scan3A_248 = arith.constant 1 : i32
      %scan3A_249:8 = scf.for %scan3A_693 = %scan3A_245 to %scan3A_247 step %scan3A_248 iter_args(%scan3A_694 = %broadcast_in_dim3A_230, %scan3A_695 = %broadcast_in_dim3A_232, %scan3A_696 = %broadcast_in_dim3A_234, %scan3A_697 = %broadcast_in_dim3A_236, %scan3A_698 = %broadcast_in_dim3A_238, %scan3A_699 = %broadcast_in_dim3A_240, %scan3A_700 = %broadcast_in_dim3A_242, %scan3A_701 = %broadcast_in_dim3A_244) -> (vector<16xf32>, vector<16xf32>, vector<16xf32>, vector<16xf32>, vector<16xf32>, vector<16xf32>, vector<16xf32>, vector<16xf32>)  : i32 {
        %get3A = arith.index_cast %scan3A_693 : i32 to index
        %get3A_702 = arith.constant 0 : index
        %get3A_703 = tpu.vector_load %arg8[%get3A, %get3A_702] {strides = array<i32>} : memref<50x128xf32, #tpu.memory_space<vmem>>, vector<1x16xf32>,
        %get3A_704 = vector.shape_cast %get3A_703 : vector<1x16xf32> to vector<16xf32>
        %add3A_705 = arith.addf %scan3A_694, %get3A_704 : vector<16xf32>
        %get3A_706 = arith.index_cast %scan3A_693 : i32 to index
        %get3A_707 = arith.constant 16 : index
        %get3A_708 = tpu.vector_load %arg8[%get3A_706, %get3A_707] {strides = array<i32>} : memref<50x128xf32, #tpu.memory_space<vmem>>, vector<1x16xf32>,
        %get3A_709 = vector.shape_cast %get3A_708 : vector<1x16xf32> to vector<16xf32>
        %add3A_710 = arith.addf %scan3A_695, %get3A_709 : vector<16xf32>
        %get3A_711 = arith.index_cast %scan3A_693 : i32 to index
        %get3A_712 = arith.constant 32 : index
        %get3A_713 = tpu.vector_load %arg8[%get3A_711, %get3A_712] {strides = array<i32>} : memref<50x128xf32, #tpu.memory_space<vmem>>, vector<1x16xf32>,
        %get3A_714 = vector.shape_cast %get3A_713 : vector<1x16xf32> to vector<16xf32>
        %add3A_715 = arith.addf %scan3A_696, %get3A_714 : vector<16xf32>
        %get3A_716 = arith.index_cast %scan3A_693 : i32 to index
        %get3A_717 = arith.constant 48 : index
        %get3A_718 = tpu.vector_load %arg8[%get3A_716, %get3A_717] {strides = array<i32>} : memref<50x128xf32, #tpu.memory_space<vmem>>, vector<1x16xf32>,
        %get3A_719 = vector.shape_cast %get3A_718 : vector<1x16xf32> to vector<16xf32>
        %add3A_720 = arith.addf %scan3A_697, %get3A_719 : vector<16xf32>
        %get3A_721 = arith.index_cast %scan3A_693 : i32 to index
        %get3A_722 = arith.constant 64 : index
        %get3A_723 = tpu.vector_load %arg8[%get3A_721, %get3A_722] {strides = array<i32>} : memref<50x128xf32, #tpu.memory_space<vmem>>, vector<1x16xf32>,
        %get3A_724 = vector.shape_cast %get3A_723 : vector<1x16xf32> to vector<16xf32>
        %add3A_725 = arith.addf %scan3A_698, %get3A_724 : vector<16xf32>
        %get3A_726 = arith.index_cast %scan3A_693 : i32 to index
        %get3A_727 = arith.constant 80 : index
        %get3A_728 = tpu.vector_load %arg8[%get3A_726, %get3A_727] {strides = array<i32>} : memref<50x128xf32, #tpu.memory_space<vmem>>, vector<1x16xf32>,
        %get3A_729 = vector.shape_cast %get3A_728 : vector<1x16xf32> to vector<16xf32>
        %add3A_730 = arith.addf %scan3A_699, %get3A_729 : vector<16xf32>
        %get3A_731 = arith.index_cast %scan3A_693 : i32 to index
        %get3A_732 = arith.constant 96 : index
        %get3A_733 = tpu.vector_load %arg8[%get3A_731, %get3A_732] {strides = array<i32>} : memref<50x128xf32, #tpu.memory_space<vmem>>, vector<1x16xf32>,
        %get3A_734 = vector.shape_cast %get3A_733 : vector<1x16xf32> to vector<16xf32>
        %add3A_735 = arith.addf %scan3A_700, %get3A_734 : vector<16xf32>
        %get3A_736 = arith.index_cast %scan3A_693 : i32 to index
        %get3A_737 = arith.constant 112 : index
        %get3A_738 = tpu.vector_load %arg8[%get3A_736, %get3A_737] {strides = array<i32>} : memref<50x128xf32, #tpu.memory_space<vmem>>, vector<1x16xf32>,
        %get3A_739 = vector.shape_cast %get3A_738 : vector<1x16xf32> to vector<16xf32>
        %add3A_740 = arith.addf %scan3A_701, %get3A_739 : vector<16xf32>
        scf.yield %add3A_705, %add3A_710, %add3A_715, %add3A_720, %add3A_725, %add3A_730, %add3A_735, %add3A_740 : vector<16xf32>, vector<16xf32>, vector<16xf32>, vector<16xf32>, vector<16xf32>, vector<16xf32>, vector<16xf32>, vector<16xf32>
      }
      %scan3A_250 = arith.constant 50 : i32
      %swap3A_251 = arith.index_cast %add3A_222 : i32 to index
      %swap3A_252 = arith.constant 0 : index
      %swap3A_253 = tpu.vector_load %arg14[%swap3A_251, %swap3A_252] {strides = array<i32>} : memref<128x128xf32, #tpu.memory_space<vmem>>, vector<1x16xf32>,
      %swap3A_254 = vector.shape_cast %swap3A_253 : vector<1x16xf32> to vector<16xf32>
      %swap3A_255 = vector.shape_cast %scan3A_249#0 : vector<16xf32> to vector<1x16xf32>
      tpu.vector_store %arg14[%swap3A_251, %swap3A_252], %swap3A_255 {strides = array<i32>} : memref<128x128xf32, #tpu.memory_space<vmem>>, vector<1x16xf32>,
      %swap3A_256 = arith.index_cast %add3A_222 : i32 to index
      %swap3A_257 = arith.constant 16 : index
      %swap3A_258 = tpu.vector_load %arg14[%swap3A_256, %swap3A_257] {strides = array<i32>} : memref<128x128xf32, #tpu.memory_space<vmem>>, vector<1x16xf32>,
      %swap3A_259 = vector.shape_cast %swap3A_258 : vector<1x16xf32> to vector<16xf32>
      %swap3A_260 = vector.shape_cast %scan3A_249#1 : vector<16xf32> to vector<1x16xf32>
      tpu.vector_store %arg14[%swap3A_256, %swap3A_257], %swap3A_260 {strides = array<i32>} : memref<128x128xf32, #tpu.memory_space<vmem>>, vector<1x16xf32>,
      %swap3A_261 = arith.index_cast %add3A_222 : i32 to index
      %swap3A_262 = arith.constant 32 : index
      %swap3A_263 = tpu.vector_load %arg14[%swap3A_261, %swap3A_262] {strides = array<i32>} : memref<128x128xf32, #tpu.memory_space<vmem>>, vector<1x16xf32>,
      %swap3A_264 = vector.shape_cast %swap3A_263 : vector<1x16xf32> to vector<16xf32>
      %swap3A_265 = vector.shape_cast %scan3A_249#2 : vector<16xf32> to vector<1x16xf32>
      tpu.vector_store %arg14[%swap3A_261, %swap3A_262], %swap3A_265 {strides = array<i32>} : memref<128x128xf32, #tpu.memory_space<vmem>>, vector<1x16xf32>,
      %swap3A_266 = arith.index_cast %add3A_222 : i32 to index
      %swap3A_267 = arith.constant 48 : index
      %swap3A_268 = tpu.vector_load %arg14[%swap3A_266, %swap3A_267] {strides = array<i32>} : memref<128x128xf32, #tpu.memory_space<vmem>>, vector<1x16xf32>,
      %swap3A_269 = vector.shape_cast %swap3A_268 : vector<1x16xf32> to vector<16xf32>
      %swap3A_270 = vector.shape_cast %scan3A_249#3 : vector<16xf32> to vector<1x16xf32>
      tpu.vector_store %arg14[%swap3A_266, %swap3A_267], %swap3A_270 {strides = array<i32>} : memref<128x128xf32, #tpu.memory_space<vmem>>, vector<1x16xf32>,
      %swap3A_271 = arith.index_cast %add3A_222 : i32 to index
      %swap3A_272 = arith.constant 64 : index
      %swap3A_273 = tpu.vector_load %arg14[%swap3A_271, %swap3A_272] {strides = array<i32>} : memref<128x128xf32, #tpu.memory_space<vmem>>, vector<1x16xf32>,
      %swap3A_274 = vector.shape_cast %swap3A_273 : vector<1x16xf32> to vector<16xf32>
      %swap3A_275 = vector.shape_cast %scan3A_249#4 : vector<16xf32> to vector<1x16xf32>
      tpu.vector_store %arg14[%swap3A_271, %swap3A_272], %swap3A_275 {strides = array<i32>} : memref<128x128xf32, #tpu.memory_space<vmem>>, vector<1x16xf32>,
      %swap3A_276 = arith.index_cast %add3A_222 : i32 to index
      %swap3A_277 = arith.constant 80 : index
      %swap3A_278 = tpu.vector_load %arg14[%swap3A_276, %swap3A_277] {strides = array<i32>} : memref<128x128xf32, #tpu.memory_space<vmem>>, vector<1x16xf32>,
      %swap3A_279 = vector.shape_cast %swap3A_278 : vector<1x16xf32> to vector<16xf32>
      %swap3A_280 = vector.shape_cast %scan3A_249#5 : vector<16xf32> to vector<1x16xf32>
      tpu.vector_store %arg14[%swap3A_276, %swap3A_277], %swap3A_280 {strides = array<i32>} : memref<128x128xf32, #tpu.memory_space<vmem>>, vector<1x16xf32>,
      %swap3A_281 = arith.index_cast %add3A_222 : i32 to index
      %swap3A_282 = arith.constant 96 : index
      %swap3A_283 = tpu.vector_load %arg14[%swap3A_281, %swap3A_282] {strides = array<i32>} : memref<128x128xf32, #tpu.memory_space<vmem>>, vector<1x16xf32>,
      %swap3A_284 = vector.shape_cast %swap3A_283 : vector<1x16xf32> to vector<16xf32>
      %swap3A_285 = vector.shape_cast %scan3A_249#6 : vector<16xf32> to vector<1x16xf32>
      tpu.vector_store %arg14[%swap3A_281, %swap3A_282], %swap3A_285 {strides = array<i32>} : memref<128x128xf32, #tpu.memory_space<vmem>>, vector<1x16xf32>,
      %swap3A_286 = arith.index_cast %add3A_222 : i32 to index
      %swap3A_287 = arith.constant 112 : index
      %swap3A_288 = tpu.vector_load %arg14[%swap3A_286, %swap3A_287] {strides = array<i32>} : memref<128x128xf32, #tpu.memory_space<vmem>>, vector<1x16xf32>,
      %swap3A_289 = vector.shape_cast %swap3A_288 : vector<1x16xf32> to vector<16xf32>
      %swap3A_290 = vector.shape_cast %scan3A_249#7 : vector<16xf32> to vector<1x16xf32>
      tpu.vector_store %arg14[%swap3A_286, %swap3A_287], %swap3A_290 {strides = array<i32>} : memref<128x128xf32, #tpu.memory_space<vmem>>, vector<1x16xf32>,
      %add3A_291 = arith.constant 8 : i32
      %add3A_292 = arith.addi %add3A_222, %add3A_291 : i32
      %lt3A_293 = arith.constant 128 : i32
      %lt3A_294 = arith.cmpi slt, %add3A_292, %lt3A_293 : i32
      %convert_element_type3A_295 = arith.extui %lt3A_294 : i1 to i32
      %cond3A_296 = arith.constant 0 : i32
      %cond3A_297 = arith.cmpi ne, %convert_element_type3A_295, %cond3A_296 : i32
      scf.if %cond3A_297 {
        %add3A_693 = arith.constant 8 : i32
        %add3A_694 = arith.addi %add3A_222, %add3A_693 : i32
        %dma_start3A_695 = arith.constant 0 : i32
        %dma_start3A_696 = tpu.memref_slice %arg5[%add3A_694, %dma_start3A_695] : memref<128x50xi32, #tpu.memory_space<vmem>> -> memref<1x50xi32, #tpu.memory_space<vmem>>
        %dma_start3A_697 = tpu.memref_squeeze %dma_start3A_696 : memref<1x50xi32, #tpu.memory_space<vmem>> -> memref<50xi32, #tpu.memory_space<vmem>>
        %dma_start3A_698 = arith.constant 0 : i32
        %dma_start3A_699 = arith.constant 0 : i32
        %dma_start3A_700 = tpu.memref_slice %arg3[%dma_start3A_698, %dma_start3A_699] : memref<100000x128xf32, #tpu.memory_space<hbm>> -> memref<100000x128xf32, #tpu.memory_space<hbm>>
        tpu.enqueue_indirect_dma source(%dma_start3A_700 : memref<100000x128xf32, #tpu.memory_space<hbm>>) target(%arg8 : memref<50x128xf32, #tpu.memory_space<vmem>>) offsets(%dma_start3A_697 : memref<50xi32, #tpu.memory_space<vmem>>) semaphore(%arg17 : memref<!tpu.dma_semaphore, #tpu.memory_space<semaphore_mem>>)
      } else {
      }
      %mul3A_298 = arith.constant 8 : i32
      %mul3A_299 = arith.muli %add3A_66, %mul3A_298 : i32
      %add3A_300 = arith.constant 3 : i32
      %add3A_301 = arith.addi %mul3A_299, %add3A_300 : i32
      %dma_wait3A_302 = arith.constant 0 : i32
      %dma_wait3A_303 = tpu.memref_slice %arg5[%add3A_301, %dma_wait3A_302] : memref<128x50xi32, #tpu.memory_space<vmem>> -> memref<1x50xi32, #tpu.memory_space<vmem>>
      %dma_wait3A_304 = tpu.memref_squeeze %dma_wait3A_303 : memref<1x50xi32, #tpu.memory_space<vmem>> -> memref<50xi32, #tpu.memory_space<vmem>>
      %dma_wait3A_305 = arith.constant 0 : i32
      %dma_wait3A_306 = arith.constant 0 : i32
      %dma_wait3A_307 = tpu.memref_slice %arg3[%dma_wait3A_305, %dma_wait3A_306] : memref<100000x128xf32, #tpu.memory_space<hbm>> -> memref<100000x128xf32, #tpu.memory_space<hbm>>
      tpu.wait_indirect_dma semaphore(%arg18 : memref<!tpu.dma_semaphore, #tpu.memory_space<semaphore_mem>>) src(%dma_wait3A_307 : memref<100000x128xf32, #tpu.memory_space<hbm>>) dst(%arg9 : memref<50x128xf32, #tpu.memory_space<vmem>>)
      %broadcast_in_dim3A_308 = arith.constant 0.000000e+00 : f32
      %broadcast_in_dim3A_309 = vector.broadcast %broadcast_in_dim3A_308 : f32 to vector<16xf32>
      %broadcast_in_dim3A_310 = arith.constant 0.000000e+00 : f32
      %broadcast_in_dim3A_311 = vector.broadcast %broadcast_in_dim3A_310 : f32 to vector<16xf32>
      %broadcast_in_dim3A_312 = arith.constant 0.000000e+00 : f32
      %broadcast_in_dim3A_313 = vector.broadcast %broadcast_in_dim3A_312 : f32 to vector<16xf32>
      %broadcast_in_dim3A_314 = arith.constant 0.000000e+00 : f32
      %broadcast_in_dim3A_315 = vector.broadcast %broadcast_in_dim3A_314 : f32 to vector<16xf32>
      %broadcast_in_dim3A_316 = arith.constant 0.000000e+00 : f32
      %broadcast_in_dim3A_317 = vector.broadcast %broadcast_in_dim3A_316 : f32 to vector<16xf32>
      %broadcast_in_dim3A_318 = arith.constant 0.000000e+00 : f32
      %broadcast_in_dim3A_319 = vector.broadcast %broadcast_in_dim3A_318 : f32 to vector<16xf32>
      %broadcast_in_dim3A_320 = arith.constant 0.000000e+00 : f32
      %broadcast_in_dim3A_321 = vector.broadcast %broadcast_in_dim3A_320 : f32 to vector<16xf32>
      %broadcast_in_dim3A_322 = arith.constant 0.000000e+00 : f32
      %broadcast_in_dim3A_323 = vector.broadcast %broadcast_in_dim3A_322 : f32 to vector<16xf32>
      %scan3A_324 = arith.constant 0 : i32
      %scan3A_325 = arith.constant 50 : i32
      %scan3A_326 = arith.addi %scan3A_324, %scan3A_325 : i32
      %scan3A_327 = arith.constant 1 : i32
      %scan3A_328:8 = scf.for %scan3A_693 = %scan3A_324 to %scan3A_326 step %scan3A_327 iter_args(%scan3A_694 = %broadcast_in_dim3A_309, %scan3A_695 = %broadcast_in_dim3A_311, %scan3A_696 = %broadcast_in_dim3A_313, %scan3A_697 = %broadcast_in_dim3A_315, %scan3A_698 = %broadcast_in_dim3A_317, %scan3A_699 = %broadcast_in_dim3A_319, %scan3A_700 = %broadcast_in_dim3A_321, %scan3A_701 = %broadcast_in_dim3A_323) -> (vector<16xf32>, vector<16xf32>, vector<16xf32>, vector<16xf32>, vector<16xf32>, vector<16xf32>, vector<16xf32>, vector<16xf32>)  : i32 {
        %get3A = arith.index_cast %scan3A_693 : i32 to index
        %get3A_702 = arith.constant 0 : index
        %get3A_703 = tpu.vector_load %arg9[%get3A, %get3A_702] {strides = array<i32>} : memref<50x128xf32, #tpu.memory_space<vmem>>, vector<1x16xf32>,
        %get3A_704 = vector.shape_cast %get3A_703 : vector<1x16xf32> to vector<16xf32>
        %add3A_705 = arith.addf %scan3A_694, %get3A_704 : vector<16xf32>
        %get3A_706 = arith.index_cast %scan3A_693 : i32 to index
        %get3A_707 = arith.constant 16 : index
        %get3A_708 = tpu.vector_load %arg9[%get3A_706, %get3A_707] {strides = array<i32>} : memref<50x128xf32, #tpu.memory_space<vmem>>, vector<1x16xf32>,
        %get3A_709 = vector.shape_cast %get3A_708 : vector<1x16xf32> to vector<16xf32>
        %add3A_710 = arith.addf %scan3A_695, %get3A_709 : vector<16xf32>
        %get3A_711 = arith.index_cast %scan3A_693 : i32 to index
        %get3A_712 = arith.constant 32 : index
        %get3A_713 = tpu.vector_load %arg9[%get3A_711, %get3A_712] {strides = array<i32>} : memref<50x128xf32, #tpu.memory_space<vmem>>, vector<1x16xf32>,
        %get3A_714 = vector.shape_cast %get3A_713 : vector<1x16xf32> to vector<16xf32>
        %add3A_715 = arith.addf %scan3A_696, %get3A_714 : vector<16xf32>
        %get3A_716 = arith.index_cast %scan3A_693 : i32 to index
        %get3A_717 = arith.constant 48 : index
        %get3A_718 = tpu.vector_load %arg9[%get3A_716, %get3A_717] {strides = array<i32>} : memref<50x128xf32, #tpu.memory_space<vmem>>, vector<1x16xf32>,
        %get3A_719 = vector.shape_cast %get3A_718 : vector<1x16xf32> to vector<16xf32>
        %add3A_720 = arith.addf %scan3A_697, %get3A_719 : vector<16xf32>
        %get3A_721 = arith.index_cast %scan3A_693 : i32 to index
        %get3A_722 = arith.constant 64 : index
        %get3A_723 = tpu.vector_load %arg9[%get3A_721, %get3A_722] {strides = array<i32>} : memref<50x128xf32, #tpu.memory_space<vmem>>, vector<1x16xf32>,
        %get3A_724 = vector.shape_cast %get3A_723 : vector<1x16xf32> to vector<16xf32>
        %add3A_725 = arith.addf %scan3A_698, %get3A_724 : vector<16xf32>
        %get3A_726 = arith.index_cast %scan3A_693 : i32 to index
        %get3A_727 = arith.constant 80 : index
        %get3A_728 = tpu.vector_load %arg9[%get3A_726, %get3A_727] {strides = array<i32>} : memref<50x128xf32, #tpu.memory_space<vmem>>, vector<1x16xf32>,
        %get3A_729 = vector.shape_cast %get3A_728 : vector<1x16xf32> to vector<16xf32>
        %add3A_730 = arith.addf %scan3A_699, %get3A_729 : vector<16xf32>
        %get3A_731 = arith.index_cast %scan3A_693 : i32 to index
        %get3A_732 = arith.constant 96 : index
        %get3A_733 = tpu.vector_load %arg9[%get3A_731, %get3A_732] {strides = array<i32>} : memref<50x128xf32, #tpu.memory_space<vmem>>, vector<1x16xf32>,
        %get3A_734 = vector.shape_cast %get3A_733 : vector<1x16xf32> to vector<16xf32>
        %add3A_735 = arith.addf %scan3A_700, %get3A_734 : vector<16xf32>
        %get3A_736 = arith.index_cast %scan3A_693 : i32 to index
        %get3A_737 = arith.constant 112 : index
        %get3A_738 = tpu.vector_load %arg9[%get3A_736, %get3A_737] {strides = array<i32>} : memref<50x128xf32, #tpu.memory_space<vmem>>, vector<1x16xf32>,
        %get3A_739 = vector.shape_cast %get3A_738 : vector<1x16xf32> to vector<16xf32>
        %add3A_740 = arith.addf %scan3A_701, %get3A_739 : vector<16xf32>
        scf.yield %add3A_705, %add3A_710, %add3A_715, %add3A_720, %add3A_725, %add3A_730, %add3A_735, %add3A_740 : vector<16xf32>, vector<16xf32>, vector<16xf32>, vector<16xf32>, vector<16xf32>, vector<16xf32>, vector<16xf32>, vector<16xf32>
      }
      %scan3A_329 = arith.constant 50 : i32
      %swap3A_330 = arith.index_cast %add3A_301 : i32 to index
      %swap3A_331 = arith.constant 0 : index
      %swap3A_332 = tpu.vector_load %arg14[%swap3A_330, %swap3A_331] {strides = array<i32>} : memref<128x128xf32, #tpu.memory_space<vmem>>, vector<1x16xf32>,
      %swap3A_333 = vector.shape_cast %swap3A_332 : vector<1x16xf32> to vector<16xf32>
      %swap3A_334 = vector.shape_cast %scan3A_328#0 : vector<16xf32> to vector<1x16xf32>
      tpu.vector_store %arg14[%swap3A_330, %swap3A_331], %swap3A_334 {strides = array<i32>} : memref<128x128xf32, #tpu.memory_space<vmem>>, vector<1x16xf32>,
      %swap3A_335 = arith.index_cast %add3A_301 : i32 to index
      %swap3A_336 = arith.constant 16 : index
      %swap3A_337 = tpu.vector_load %arg14[%swap3A_335, %swap3A_336] {strides = array<i32>} : memref<128x128xf32, #tpu.memory_space<vmem>>, vector<1x16xf32>,
      %swap3A_338 = vector.shape_cast %swap3A_337 : vector<1x16xf32> to vector<16xf32>
      %swap3A_339 = vector.shape_cast %scan3A_328#1 : vector<16xf32> to vector<1x16xf32>
      tpu.vector_store %arg14[%swap3A_335, %swap3A_336], %swap3A_339 {strides = array<i32>} : memref<128x128xf32, #tpu.memory_space<vmem>>, vector<1x16xf32>,
      %swap3A_340 = arith.index_cast %add3A_301 : i32 to index
      %swap3A_341 = arith.constant 32 : index
      %swap3A_342 = tpu.vector_load %arg14[%swap3A_340, %swap3A_341] {strides = array<i32>} : memref<128x128xf32, #tpu.memory_space<vmem>>, vector<1x16xf32>,
      %swap3A_343 = vector.shape_cast %swap3A_342 : vector<1x16xf32> to vector<16xf32>
      %swap3A_344 = vector.shape_cast %scan3A_328#2 : vector<16xf32> to vector<1x16xf32>
      tpu.vector_store %arg14[%swap3A_340, %swap3A_341], %swap3A_344 {strides = array<i32>} : memref<128x128xf32, #tpu.memory_space<vmem>>, vector<1x16xf32>,
      %swap3A_345 = arith.index_cast %add3A_301 : i32 to index
      %swap3A_346 = arith.constant 48 : index
      %swap3A_347 = tpu.vector_load %arg14[%swap3A_345, %swap3A_346] {strides = array<i32>} : memref<128x128xf32, #tpu.memory_space<vmem>>, vector<1x16xf32>,
      %swap3A_348 = vector.shape_cast %swap3A_347 : vector<1x16xf32> to vector<16xf32>
      %swap3A_349 = vector.shape_cast %scan3A_328#3 : vector<16xf32> to vector<1x16xf32>
      tpu.vector_store %arg14[%swap3A_345, %swap3A_346], %swap3A_349 {strides = array<i32>} : memref<128x128xf32, #tpu.memory_space<vmem>>, vector<1x16xf32>,
      %swap3A_350 = arith.index_cast %add3A_301 : i32 to index
      %swap3A_351 = arith.constant 64 : index
      %swap3A_352 = tpu.vector_load %arg14[%swap3A_350, %swap3A_351] {strides = array<i32>} : memref<128x128xf32, #tpu.memory_space<vmem>>, vector<1x16xf32>,
      %swap3A_353 = vector.shape_cast %swap3A_352 : vector<1x16xf32> to vector<16xf32>
      %swap3A_354 = vector.shape_cast %scan3A_328#4 : vector<16xf32> to vector<1x16xf32>
      tpu.vector_store %arg14[%swap3A_350, %swap3A_351], %swap3A_354 {strides = array<i32>} : memref<128x128xf32, #tpu.memory_space<vmem>>, vector<1x16xf32>,
      %swap3A_355 = arith.index_cast %add3A_301 : i32 to index
      %swap3A_356 = arith.constant 80 : index
      %swap3A_357 = tpu.vector_load %arg14[%swap3A_355, %swap3A_356] {strides = array<i32>} : memref<128x128xf32, #tpu.memory_space<vmem>>, vector<1x16xf32>,
      %swap3A_358 = vector.shape_cast %swap3A_357 : vector<1x16xf32> to vector<16xf32>
      %swap3A_359 = vector.shape_cast %scan3A_328#5 : vector<16xf32> to vector<1x16xf32>
      tpu.vector_store %arg14[%swap3A_355, %swap3A_356], %swap3A_359 {strides = array<i32>} : memref<128x128xf32, #tpu.memory_space<vmem>>, vector<1x16xf32>,
      %swap3A_360 = arith.index_cast %add3A_301 : i32 to index
      %swap3A_361 = arith.constant 96 : index
      %swap3A_362 = tpu.vector_load %arg14[%swap3A_360, %swap3A_361] {strides = array<i32>} : memref<128x128xf32, #tpu.memory_space<vmem>>, vector<1x16xf32>,
      %swap3A_363 = vector.shape_cast %swap3A_362 : vector<1x16xf32> to vector<16xf32>
      %swap3A_364 = vector.shape_cast %scan3A_328#6 : vector<16xf32> to vector<1x16xf32>
      tpu.vector_store %arg14[%swap3A_360, %swap3A_361], %swap3A_364 {strides = array<i32>} : memref<128x128xf32, #tpu.memory_space<vmem>>, vector<1x16xf32>,
      %swap3A_365 = arith.index_cast %add3A_301 : i32 to index
      %swap3A_366 = arith.constant 112 : index
      %swap3A_367 = tpu.vector_load %arg14[%swap3A_365, %swap3A_366] {strides = array<i32>} : memref<128x128xf32, #tpu.memory_space<vmem>>, vector<1x16xf32>,
      %swap3A_368 = vector.shape_cast %swap3A_367 : vector<1x16xf32> to vector<16xf32>
      %swap3A_369 = vector.shape_cast %scan3A_328#7 : vector<16xf32> to vector<1x16xf32>
      tpu.vector_store %arg14[%swap3A_365, %swap3A_366], %swap3A_369 {strides = array<i32>} : memref<128x128xf32, #tpu.memory_space<vmem>>, vector<1x16xf32>,
      %add3A_370 = arith.constant 8 : i32
      %add3A_371 = arith.addi %add3A_301, %add3A_370 : i32
      %lt3A_372 = arith.constant 128 : i32
      %lt3A_373 = arith.cmpi slt, %add3A_371, %lt3A_372 : i32
      %convert_element_type3A_374 = arith.extui %lt3A_373 : i1 to i32
      %cond3A_375 = arith.constant 0 : i32
      %cond3A_376 = arith.cmpi ne, %convert_element_type3A_374, %cond3A_375 : i32
      scf.if %cond3A_376 {
        %add3A_693 = arith.constant 8 : i32
        %add3A_694 = arith.addi %add3A_301, %add3A_693 : i32
        %dma_start3A_695 = arith.constant 0 : i32
        %dma_start3A_696 = tpu.memref_slice %arg5[%add3A_694, %dma_start3A_695] : memref<128x50xi32, #tpu.memory_space<vmem>> -> memref<1x50xi32, #tpu.memory_space<vmem>>
        %dma_start3A_697 = tpu.memref_squeeze %dma_start3A_696 : memref<1x50xi32, #tpu.memory_space<vmem>> -> memref<50xi32, #tpu.memory_space<vmem>>
        %dma_start3A_698 = arith.constant 0 : i32
        %dma_start3A_699 = arith.constant 0 : i32
        %dma_start3A_700 = tpu.memref_slice %arg3[%dma_start3A_698, %dma_start3A_699] : memref<100000x128xf32, #tpu.memory_space<hbm>> -> memref<100000x128xf32, #tpu.memory_space<hbm>>
        tpu.enqueue_indirect_dma source(%dma_start3A_700 : memref<100000x128xf32, #tpu.memory_space<hbm>>) target(%arg9 : memref<50x128xf32, #tpu.memory_space<vmem>>) offsets(%dma_start3A_697 : memref<50xi32, #tpu.memory_space<vmem>>) semaphore(%arg18 : memref<!tpu.dma_semaphore, #tpu.memory_space<semaphore_mem>>)
      } else {
      }
      %mul3A_377 = arith.constant 8 : i32
      %mul3A_378 = arith.muli %add3A_66, %mul3A_377 : i32
      %add3A_379 = arith.constant 4 : i32
      %add3A_380 = arith.addi %mul3A_378, %add3A_379 : i32
      %dma_wait3A_381 = arith.constant 0 : i32
      %dma_wait3A_382 = tpu.memref_slice %arg5[%add3A_380, %dma_wait3A_381] : memref<128x50xi32, #tpu.memory_space<vmem>> -> memref<1x50xi32, #tpu.memory_space<vmem>>
      %dma_wait3A_383 = tpu.memref_squeeze %dma_wait3A_382 : memref<1x50xi32, #tpu.memory_space<vmem>> -> memref<50xi32, #tpu.memory_space<vmem>>
      %dma_wait3A_384 = arith.constant 0 : i32
      %dma_wait3A_385 = arith.constant 0 : i32
      %dma_wait3A_386 = tpu.memref_slice %arg3[%dma_wait3A_384, %dma_wait3A_385] : memref<100000x128xf32, #tpu.memory_space<hbm>> -> memref<100000x128xf32, #tpu.memory_space<hbm>>
      tpu.wait_indirect_dma semaphore(%arg19 : memref<!tpu.dma_semaphore, #tpu.memory_space<semaphore_mem>>) src(%dma_wait3A_386 : memref<100000x128xf32, #tpu.memory_space<hbm>>) dst(%arg10 : memref<50x128xf32, #tpu.memory_space<vmem>>)
      %broadcast_in_dim3A_387 = arith.constant 0.000000e+00 : f32
      %broadcast_in_dim3A_388 = vector.broadcast %broadcast_in_dim3A_387 : f32 to vector<16xf32>
      %broadcast_in_dim3A_389 = arith.constant 0.000000e+00 : f32
      %broadcast_in_dim3A_390 = vector.broadcast %broadcast_in_dim3A_389 : f32 to vector<16xf32>
      %broadcast_in_dim3A_391 = arith.constant 0.000000e+00 : f32
      %broadcast_in_dim3A_392 = vector.broadcast %broadcast_in_dim3A_391 : f32 to vector<16xf32>
      %broadcast_in_dim3A_393 = arith.constant 0.000000e+00 : f32
      %broadcast_in_dim3A_394 = vector.broadcast %broadcast_in_dim3A_393 : f32 to vector<16xf32>
      %broadcast_in_dim3A_395 = arith.constant 0.000000e+00 : f32
      %broadcast_in_dim3A_396 = vector.broadcast %broadcast_in_dim3A_395 : f32 to vector<16xf32>
      %broadcast_in_dim3A_397 = arith.constant 0.000000e+00 : f32
      %broadcast_in_dim3A_398 = vector.broadcast %broadcast_in_dim3A_397 : f32 to vector<16xf32>
      %broadcast_in_dim3A_399 = arith.constant 0.000000e+00 : f32
      %broadcast_in_dim3A_400 = vector.broadcast %broadcast_in_dim3A_399 : f32 to vector<16xf32>
      %broadcast_in_dim3A_401 = arith.constant 0.000000e+00 : f32
      %broadcast_in_dim3A_402 = vector.broadcast %broadcast_in_dim3A_401 : f32 to vector<16xf32>
      %scan3A_403 = arith.constant 0 : i32
      %scan3A_404 = arith.constant 50 : i32
      %scan3A_405 = arith.addi %scan3A_403, %scan3A_404 : i32
      %scan3A_406 = arith.constant 1 : i32
      %scan3A_407:8 = scf.for %scan3A_693 = %scan3A_403 to %scan3A_405 step %scan3A_406 iter_args(%scan3A_694 = %broadcast_in_dim3A_388, %scan3A_695 = %broadcast_in_dim3A_390, %scan3A_696 = %broadcast_in_dim3A_392, %scan3A_697 = %broadcast_in_dim3A_394, %scan3A_698 = %broadcast_in_dim3A_396, %scan3A_699 = %broadcast_in_dim3A_398, %scan3A_700 = %broadcast_in_dim3A_400, %scan3A_701 = %broadcast_in_dim3A_402) -> (vector<16xf32>, vector<16xf32>, vector<16xf32>, vector<16xf32>, vector<16xf32>, vector<16xf32>, vector<16xf32>, vector<16xf32>)  : i32 {
        %get3A = arith.index_cast %scan3A_693 : i32 to index
        %get3A_702 = arith.constant 0 : index
        %get3A_703 = tpu.vector_load %arg10[%get3A, %get3A_702] {strides = array<i32>} : memref<50x128xf32, #tpu.memory_space<vmem>>, vector<1x16xf32>,
        %get3A_704 = vector.shape_cast %get3A_703 : vector<1x16xf32> to vector<16xf32>
        %add3A_705 = arith.addf %scan3A_694, %get3A_704 : vector<16xf32>
        %get3A_706 = arith.index_cast %scan3A_693 : i32 to index
        %get3A_707 = arith.constant 16 : index
        %get3A_708 = tpu.vector_load %arg10[%get3A_706, %get3A_707] {strides = array<i32>} : memref<50x128xf32, #tpu.memory_space<vmem>>, vector<1x16xf32>,
        %get3A_709 = vector.shape_cast %get3A_708 : vector<1x16xf32> to vector<16xf32>
        %add3A_710 = arith.addf %scan3A_695, %get3A_709 : vector<16xf32>
        %get3A_711 = arith.index_cast %scan3A_693 : i32 to index
        %get3A_712 = arith.constant 32 : index
        %get3A_713 = tpu.vector_load %arg10[%get3A_711, %get3A_712] {strides = array<i32>} : memref<50x128xf32, #tpu.memory_space<vmem>>, vector<1x16xf32>,
        %get3A_714 = vector.shape_cast %get3A_713 : vector<1x16xf32> to vector<16xf32>
        %add3A_715 = arith.addf %scan3A_696, %get3A_714 : vector<16xf32>
        %get3A_716 = arith.index_cast %scan3A_693 : i32 to index
        %get3A_717 = arith.constant 48 : index
        %get3A_718 = tpu.vector_load %arg10[%get3A_716, %get3A_717] {strides = array<i32>} : memref<50x128xf32, #tpu.memory_space<vmem>>, vector<1x16xf32>,
        %get3A_719 = vector.shape_cast %get3A_718 : vector<1x16xf32> to vector<16xf32>
        %add3A_720 = arith.addf %scan3A_697, %get3A_719 : vector<16xf32>
        %get3A_721 = arith.index_cast %scan3A_693 : i32 to index
        %get3A_722 = arith.constant 64 : index
        %get3A_723 = tpu.vector_load %arg10[%get3A_721, %get3A_722] {strides = array<i32>} : memref<50x128xf32, #tpu.memory_space<vmem>>, vector<1x16xf32>,
        %get3A_724 = vector.shape_cast %get3A_723 : vector<1x16xf32> to vector<16xf32>
        %add3A_725 = arith.addf %scan3A_698, %get3A_724 : vector<16xf32>
        %get3A_726 = arith.index_cast %scan3A_693 : i32 to index
        %get3A_727 = arith.constant 80 : index
        %get3A_728 = tpu.vector_load %arg10[%get3A_726, %get3A_727] {strides = array<i32>} : memref<50x128xf32, #tpu.memory_space<vmem>>, vector<1x16xf32>,
        %get3A_729 = vector.shape_cast %get3A_728 : vector<1x16xf32> to vector<16xf32>
        %add3A_730 = arith.addf %scan3A_699, %get3A_729 : vector<16xf32>
        %get3A_731 = arith.index_cast %scan3A_693 : i32 to index
        %get3A_732 = arith.constant 96 : index
        %get3A_733 = tpu.vector_load %arg10[%get3A_731, %get3A_732] {strides = array<i32>} : memref<50x128xf32, #tpu.memory_space<vmem>>, vector<1x16xf32>,
        %get3A_734 = vector.shape_cast %get3A_733 : vector<1x16xf32> to vector<16xf32>
        %add3A_735 = arith.addf %scan3A_700, %get3A_734 : vector<16xf32>
        %get3A_736 = arith.index_cast %scan3A_693 : i32 to index
        %get3A_737 = arith.constant 112 : index
        %get3A_738 = tpu.vector_load %arg10[%get3A_736, %get3A_737] {strides = array<i32>} : memref<50x128xf32, #tpu.memory_space<vmem>>, vector<1x16xf32>,
        %get3A_739 = vector.shape_cast %get3A_738 : vector<1x16xf32> to vector<16xf32>
        %add3A_740 = arith.addf %scan3A_701, %get3A_739 : vector<16xf32>
        scf.yield %add3A_705, %add3A_710, %add3A_715, %add3A_720, %add3A_725, %add3A_730, %add3A_735, %add3A_740 : vector<16xf32>, vector<16xf32>, vector<16xf32>, vector<16xf32>, vector<16xf32>, vector<16xf32>, vector<16xf32>, vector<16xf32>
      }
      %scan3A_408 = arith.constant 50 : i32
      %swap3A_409 = arith.index_cast %add3A_380 : i32 to index
      %swap3A_410 = arith.constant 0 : index
      %swap3A_411 = tpu.vector_load %arg14[%swap3A_409, %swap3A_410] {strides = array<i32>} : memref<128x128xf32, #tpu.memory_space<vmem>>, vector<1x16xf32>,
      %swap3A_412 = vector.shape_cast %swap3A_411 : vector<1x16xf32> to vector<16xf32>
      %swap3A_413 = vector.shape_cast %scan3A_407#0 : vector<16xf32> to vector<1x16xf32>
      tpu.vector_store %arg14[%swap3A_409, %swap3A_410], %swap3A_413 {strides = array<i32>} : memref<128x128xf32, #tpu.memory_space<vmem>>, vector<1x16xf32>,
      %swap3A_414 = arith.index_cast %add3A_380 : i32 to index
      %swap3A_415 = arith.constant 16 : index
      %swap3A_416 = tpu.vector_load %arg14[%swap3A_414, %swap3A_415] {strides = array<i32>} : memref<128x128xf32, #tpu.memory_space<vmem>>, vector<1x16xf32>,
      %swap3A_417 = vector.shape_cast %swap3A_416 : vector<1x16xf32> to vector<16xf32>
      %swap3A_418 = vector.shape_cast %scan3A_407#1 : vector<16xf32> to vector<1x16xf32>
      tpu.vector_store %arg14[%swap3A_414, %swap3A_415], %swap3A_418 {strides = array<i32>} : memref<128x128xf32, #tpu.memory_space<vmem>>, vector<1x16xf32>,
      %swap3A_419 = arith.index_cast %add3A_380 : i32 to index
      %swap3A_420 = arith.constant 32 : index
      %swap3A_421 = tpu.vector_load %arg14[%swap3A_419, %swap3A_420] {strides = array<i32>} : memref<128x128xf32, #tpu.memory_space<vmem>>, vector<1x16xf32>,
      %swap3A_422 = vector.shape_cast %swap3A_421 : vector<1x16xf32> to vector<16xf32>
      %swap3A_423 = vector.shape_cast %scan3A_407#2 : vector<16xf32> to vector<1x16xf32>
      tpu.vector_store %arg14[%swap3A_419, %swap3A_420], %swap3A_423 {strides = array<i32>} : memref<128x128xf32, #tpu.memory_space<vmem>>, vector<1x16xf32>,
      %swap3A_424 = arith.index_cast %add3A_380 : i32 to index
      %swap3A_425 = arith.constant 48 : index
      %swap3A_426 = tpu.vector_load %arg14[%swap3A_424, %swap3A_425] {strides = array<i32>} : memref<128x128xf32, #tpu.memory_space<vmem>>, vector<1x16xf32>,
      %swap3A_427 = vector.shape_cast %swap3A_426 : vector<1x16xf32> to vector<16xf32>
      %swap3A_428 = vector.shape_cast %scan3A_407#3 : vector<16xf32> to vector<1x16xf32>
      tpu.vector_store %arg14[%swap3A_424, %swap3A_425], %swap3A_428 {strides = array<i32>} : memref<128x128xf32, #tpu.memory_space<vmem>>, vector<1x16xf32>,
      %swap3A_429 = arith.index_cast %add3A_380 : i32 to index
      %swap3A_430 = arith.constant 64 : index
      %swap3A_431 = tpu.vector_load %arg14[%swap3A_429, %swap3A_430] {strides = array<i32>} : memref<128x128xf32, #tpu.memory_space<vmem>>, vector<1x16xf32>,
      %swap3A_432 = vector.shape_cast %swap3A_431 : vector<1x16xf32> to vector<16xf32>
      %swap3A_433 = vector.shape_cast %scan3A_407#4 : vector<16xf32> to vector<1x16xf32>
      tpu.vector_store %arg14[%swap3A_429, %swap3A_430], %swap3A_433 {strides = array<i32>} : memref<128x128xf32, #tpu.memory_space<vmem>>, vector<1x16xf32>,
      %swap3A_434 = arith.index_cast %add3A_380 : i32 to index
      %swap3A_435 = arith.constant 80 : index
      %swap3A_436 = tpu.vector_load %arg14[%swap3A_434, %swap3A_435] {strides = array<i32>} : memref<128x128xf32, #tpu.memory_space<vmem>>, vector<1x16xf32>,
      %swap3A_437 = vector.shape_cast %swap3A_436 : vector<1x16xf32> to vector<16xf32>
      %swap3A_438 = vector.shape_cast %scan3A_407#5 : vector<16xf32> to vector<1x16xf32>
      tpu.vector_store %arg14[%swap3A_434, %swap3A_435], %swap3A_438 {strides = array<i32>} : memref<128x128xf32, #tpu.memory_space<vmem>>, vector<1x16xf32>,
      %swap3A_439 = arith.index_cast %add3A_380 : i32 to index
      %swap3A_440 = arith.constant 96 : index
      %swap3A_441 = tpu.vector_load %arg14[%swap3A_439, %swap3A_440] {strides = array<i32>} : memref<128x128xf32, #tpu.memory_space<vmem>>, vector<1x16xf32>,
      %swap3A_442 = vector.shape_cast %swap3A_441 : vector<1x16xf32> to vector<16xf32>
      %swap3A_443 = vector.shape_cast %scan3A_407#6 : vector<16xf32> to vector<1x16xf32>
      tpu.vector_store %arg14[%swap3A_439, %swap3A_440], %swap3A_443 {strides = array<i32>} : memref<128x128xf32, #tpu.memory_space<vmem>>, vector<1x16xf32>,
      %swap3A_444 = arith.index_cast %add3A_380 : i32 to index
      %swap3A_445 = arith.constant 112 : index
      %swap3A_446 = tpu.vector_load %arg14[%swap3A_444, %swap3A_445] {strides = array<i32>} : memref<128x128xf32, #tpu.memory_space<vmem>>, vector<1x16xf32>,
      %swap3A_447 = vector.shape_cast %swap3A_446 : vector<1x16xf32> to vector<16xf32>
      %swap3A_448 = vector.shape_cast %scan3A_407#7 : vector<16xf32> to vector<1x16xf32>
      tpu.vector_store %arg14[%swap3A_444, %swap3A_445], %swap3A_448 {strides = array<i32>} : memref<128x128xf32, #tpu.memory_space<vmem>>, vector<1x16xf32>,
      %add3A_449 = arith.constant 8 : i32
      %add3A_450 = arith.addi %add3A_380, %add3A_449 : i32
      %lt3A_451 = arith.constant 128 : i32
      %lt3A_452 = arith.cmpi slt, %add3A_450, %lt3A_451 : i32
      %convert_element_type3A_453 = arith.extui %lt3A_452 : i1 to i32
      %cond3A_454 = arith.constant 0 : i32
      %cond3A_455 = arith.cmpi ne, %convert_element_type3A_453, %cond3A_454 : i32
      scf.if %cond3A_455 {
        %add3A_693 = arith.constant 8 : i32
        %add3A_694 = arith.addi %add3A_380, %add3A_693 : i32
        %dma_start3A_695 = arith.constant 0 : i32
        %dma_start3A_696 = tpu.memref_slice %arg5[%add3A_694, %dma_start3A_695] : memref<128x50xi32, #tpu.memory_space<vmem>> -> memref<1x50xi32, #tpu.memory_space<vmem>>
        %dma_start3A_697 = tpu.memref_squeeze %dma_start3A_696 : memref<1x50xi32, #tpu.memory_space<vmem>> -> memref<50xi32, #tpu.memory_space<vmem>>
        %dma_start3A_698 = arith.constant 0 : i32
        %dma_start3A_699 = arith.constant 0 : i32
        %dma_start3A_700 = tpu.memref_slice %arg3[%dma_start3A_698, %dma_start3A_699] : memref<100000x128xf32, #tpu.memory_space<hbm>> -> memref<100000x128xf32, #tpu.memory_space<hbm>>
        tpu.enqueue_indirect_dma source(%dma_start3A_700 : memref<100000x128xf32, #tpu.memory_space<hbm>>) target(%arg10 : memref<50x128xf32, #tpu.memory_space<vmem>>) offsets(%dma_start3A_697 : memref<50xi32, #tpu.memory_space<vmem>>) semaphore(%arg19 : memref<!tpu.dma_semaphore, #tpu.memory_space<semaphore_mem>>)
      } else {
      }
      %mul3A_456 = arith.constant 8 : i32
      %mul3A_457 = arith.muli %add3A_66, %mul3A_456 : i32
      %add3A_458 = arith.constant 5 : i32
      %add3A_459 = arith.addi %mul3A_457, %add3A_458 : i32
      %dma_wait3A_460 = arith.constant 0 : i32
      %dma_wait3A_461 = tpu.memref_slice %arg5[%add3A_459, %dma_wait3A_460] : memref<128x50xi32, #tpu.memory_space<vmem>> -> memref<1x50xi32, #tpu.memory_space<vmem>>
      %dma_wait3A_462 = tpu.memref_squeeze %dma_wait3A_461 : memref<1x50xi32, #tpu.memory_space<vmem>> -> memref<50xi32, #tpu.memory_space<vmem>>
      %dma_wait3A_463 = arith.constant 0 : i32
      %dma_wait3A_464 = arith.constant 0 : i32
      %dma_wait3A_465 = tpu.memref_slice %arg3[%dma_wait3A_463, %dma_wait3A_464] : memref<100000x128xf32, #tpu.memory_space<hbm>> -> memref<100000x128xf32, #tpu.memory_space<hbm>>
      tpu.wait_indirect_dma semaphore(%arg20 : memref<!tpu.dma_semaphore, #tpu.memory_space<semaphore_mem>>) src(%dma_wait3A_465 : memref<100000x128xf32, #tpu.memory_space<hbm>>) dst(%arg11 : memref<50x128xf32, #tpu.memory_space<vmem>>)
      %broadcast_in_dim3A_466 = arith.constant 0.000000e+00 : f32
      %broadcast_in_dim3A_467 = vector.broadcast %broadcast_in_dim3A_466 : f32 to vector<16xf32>
      %broadcast_in_dim3A_468 = arith.constant 0.000000e+00 : f32
      %broadcast_in_dim3A_469 = vector.broadcast %broadcast_in_dim3A_468 : f32 to vector<16xf32>
      %broadcast_in_dim3A_470 = arith.constant 0.000000e+00 : f32
      %broadcast_in_dim3A_471 = vector.broadcast %broadcast_in_dim3A_470 : f32 to vector<16xf32>
      %broadcast_in_dim3A_472 = arith.constant 0.000000e+00 : f32
      %broadcast_in_dim3A_473 = vector.broadcast %broadcast_in_dim3A_472 : f32 to vector<16xf32>
      %broadcast_in_dim3A_474 = arith.constant 0.000000e+00 : f32
      %broadcast_in_dim3A_475 = vector.broadcast %broadcast_in_dim3A_474 : f32 to vector<16xf32>
      %broadcast_in_dim3A_476 = arith.constant 0.000000e+00 : f32
      %broadcast_in_dim3A_477 = vector.broadcast %broadcast_in_dim3A_476 : f32 to vector<16xf32>
      %broadcast_in_dim3A_478 = arith.constant 0.000000e+00 : f32
      %broadcast_in_dim3A_479 = vector.broadcast %broadcast_in_dim3A_478 : f32 to vector<16xf32>
      %broadcast_in_dim3A_480 = arith.constant 0.000000e+00 : f32
      %broadcast_in_dim3A_481 = vector.broadcast %broadcast_in_dim3A_480 : f32 to vector<16xf32>
      %scan3A_482 = arith.constant 0 : i32
      %scan3A_483 = arith.constant 50 : i32
      %scan3A_484 = arith.addi %scan3A_482, %scan3A_483 : i32
      %scan3A_485 = arith.constant 1 : i32
      %scan3A_486:8 = scf.for %scan3A_693 = %scan3A_482 to %scan3A_484 step %scan3A_485 iter_args(%scan3A_694 = %broadcast_in_dim3A_467, %scan3A_695 = %broadcast_in_dim3A_469, %scan3A_696 = %broadcast_in_dim3A_471, %scan3A_697 = %broadcast_in_dim3A_473, %scan3A_698 = %broadcast_in_dim3A_475, %scan3A_699 = %broadcast_in_dim3A_477, %scan3A_700 = %broadcast_in_dim3A_479, %scan3A_701 = %broadcast_in_dim3A_481) -> (vector<16xf32>, vector<16xf32>, vector<16xf32>, vector<16xf32>, vector<16xf32>, vector<16xf32>, vector<16xf32>, vector<16xf32>)  : i32 {
        %get3A = arith.index_cast %scan3A_693 : i32 to index
        %get3A_702 = arith.constant 0 : index
        %get3A_703 = tpu.vector_load %arg11[%get3A, %get3A_702] {strides = array<i32>} : memref<50x128xf32, #tpu.memory_space<vmem>>, vector<1x16xf32>,
        %get3A_704 = vector.shape_cast %get3A_703 : vector<1x16xf32> to vector<16xf32>
        %add3A_705 = arith.addf %scan3A_694, %get3A_704 : vector<16xf32>
        %get3A_706 = arith.index_cast %scan3A_693 : i32 to index
        %get3A_707 = arith.constant 16 : index
        %get3A_708 = tpu.vector_load %arg11[%get3A_706, %get3A_707] {strides = array<i32>} : memref<50x128xf32, #tpu.memory_space<vmem>>, vector<1x16xf32>,
        %get3A_709 = vector.shape_cast %get3A_708 : vector<1x16xf32> to vector<16xf32>
        %add3A_710 = arith.addf %scan3A_695, %get3A_709 : vector<16xf32>
        %get3A_711 = arith.index_cast %scan3A_693 : i32 to index
        %get3A_712 = arith.constant 32 : index
        %get3A_713 = tpu.vector_load %arg11[%get3A_711, %get3A_712] {strides = array<i32>} : memref<50x128xf32, #tpu.memory_space<vmem>>, vector<1x16xf32>,
        %get3A_714 = vector.shape_cast %get3A_713 : vector<1x16xf32> to vector<16xf32>
        %add3A_715 = arith.addf %scan3A_696, %get3A_714 : vector<16xf32>
        %get3A_716 = arith.index_cast %scan3A_693 : i32 to index
        %get3A_717 = arith.constant 48 : index
        %get3A_718 = tpu.vector_load %arg11[%get3A_716, %get3A_717] {strides = array<i32>} : memref<50x128xf32, #tpu.memory_space<vmem>>, vector<1x16xf32>,
        %get3A_719 = vector.shape_cast %get3A_718 : vector<1x16xf32> to vector<16xf32>
        %add3A_720 = arith.addf %scan3A_697, %get3A_719 : vector<16xf32>
        %get3A_721 = arith.index_cast %scan3A_693 : i32 to index
        %get3A_722 = arith.constant 64 : index
        %get3A_723 = tpu.vector_load %arg11[%get3A_721, %get3A_722] {strides = array<i32>} : memref<50x128xf32, #tpu.memory_space<vmem>>, vector<1x16xf32>,
        %get3A_724 = vector.shape_cast %get3A_723 : vector<1x16xf32> to vector<16xf32>
        %add3A_725 = arith.addf %scan3A_698, %get3A_724 : vector<16xf32>
        %get3A_726 = arith.index_cast %scan3A_693 : i32 to index
        %get3A_727 = arith.constant 80 : index
        %get3A_728 = tpu.vector_load %arg11[%get3A_726, %get3A_727] {strides = array<i32>} : memref<50x128xf32, #tpu.memory_space<vmem>>, vector<1x16xf32>,
        %get3A_729 = vector.shape_cast %get3A_728 : vector<1x16xf32> to vector<16xf32>
        %add3A_730 = arith.addf %scan3A_699, %get3A_729 : vector<16xf32>
        %get3A_731 = arith.index_cast %scan3A_693 : i32 to index
        %get3A_732 = arith.constant 96 : index
        %get3A_733 = tpu.vector_load %arg11[%get3A_731, %get3A_732] {strides = array<i32>} : memref<50x128xf32, #tpu.memory_space<vmem>>, vector<1x16xf32>,
        %get3A_734 = vector.shape_cast %get3A_733 : vector<1x16xf32> to vector<16xf32>
        %add3A_735 = arith.addf %scan3A_700, %get3A_734 : vector<16xf32>
        %get3A_736 = arith.index_cast %scan3A_693 : i32 to index
        %get3A_737 = arith.constant 112 : index
        %get3A_738 = tpu.vector_load %arg11[%get3A_736, %get3A_737] {strides = array<i32>} : memref<50x128xf32, #tpu.memory_space<vmem>>, vector<1x16xf32>,
        %get3A_739 = vector.shape_cast %get3A_738 : vector<1x16xf32> to vector<16xf32>
        %add3A_740 = arith.addf %scan3A_701, %get3A_739 : vector<16xf32>
        scf.yield %add3A_705, %add3A_710, %add3A_715, %add3A_720, %add3A_725, %add3A_730, %add3A_735, %add3A_740 : vector<16xf32>, vector<16xf32>, vector<16xf32>, vector<16xf32>, vector<16xf32>, vector<16xf32>, vector<16xf32>, vector<16xf32>
      }
      %scan3A_487 = arith.constant 50 : i32
      %swap3A_488 = arith.index_cast %add3A_459 : i32 to index
      %swap3A_489 = arith.constant 0 : index
      %swap3A_490 = tpu.vector_load %arg14[%swap3A_488, %swap3A_489] {strides = array<i32>} : memref<128x128xf32, #tpu.memory_space<vmem>>, vector<1x16xf32>,
      %swap3A_491 = vector.shape_cast %swap3A_490 : vector<1x16xf32> to vector<16xf32>
      %swap3A_492 = vector.shape_cast %scan3A_486#0 : vector<16xf32> to vector<1x16xf32>
      tpu.vector_store %arg14[%swap3A_488, %swap3A_489], %swap3A_492 {strides = array<i32>} : memref<128x128xf32, #tpu.memory_space<vmem>>, vector<1x16xf32>,
      %swap3A_493 = arith.index_cast %add3A_459 : i32 to index
      %swap3A_494 = arith.constant 16 : index
      %swap3A_495 = tpu.vector_load %arg14[%swap3A_493, %swap3A_494] {strides = array<i32>} : memref<128x128xf32, #tpu.memory_space<vmem>>, vector<1x16xf32>,
      %swap3A_496 = vector.shape_cast %swap3A_495 : vector<1x16xf32> to vector<16xf32>
      %swap3A_497 = vector.shape_cast %scan3A_486#1 : vector<16xf32> to vector<1x16xf32>
      tpu.vector_store %arg14[%swap3A_493, %swap3A_494], %swap3A_497 {strides = array<i32>} : memref<128x128xf32, #tpu.memory_space<vmem>>, vector<1x16xf32>,
      %swap3A_498 = arith.index_cast %add3A_459 : i32 to index
      %swap3A_499 = arith.constant 32 : index
      %swap3A_500 = tpu.vector_load %arg14[%swap3A_498, %swap3A_499] {strides = array<i32>} : memref<128x128xf32, #tpu.memory_space<vmem>>, vector<1x16xf32>,
      %swap3A_501 = vector.shape_cast %swap3A_500 : vector<1x16xf32> to vector<16xf32>
      %swap3A_502 = vector.shape_cast %scan3A_486#2 : vector<16xf32> to vector<1x16xf32>
      tpu.vector_store %arg14[%swap3A_498, %swap3A_499], %swap3A_502 {strides = array<i32>} : memref<128x128xf32, #tpu.memory_space<vmem>>, vector<1x16xf32>,
      %swap3A_503 = arith.index_cast %add3A_459 : i32 to index
      %swap3A_504 = arith.constant 48 : index
      %swap3A_505 = tpu.vector_load %arg14[%swap3A_503, %swap3A_504] {strides = array<i32>} : memref<128x128xf32, #tpu.memory_space<vmem>>, vector<1x16xf32>,
      %swap3A_506 = vector.shape_cast %swap3A_505 : vector<1x16xf32> to vector<16xf32>
      %swap3A_507 = vector.shape_cast %scan3A_486#3 : vector<16xf32> to vector<1x16xf32>
      tpu.vector_store %arg14[%swap3A_503, %swap3A_504], %swap3A_507 {strides = array<i32>} : memref<128x128xf32, #tpu.memory_space<vmem>>, vector<1x16xf32>,
      %swap3A_508 = arith.index_cast %add3A_459 : i32 to index
      %swap3A_509 = arith.constant 64 : index
      %swap3A_510 = tpu.vector_load %arg14[%swap3A_508, %swap3A_509] {strides = array<i32>} : memref<128x128xf32, #tpu.memory_space<vmem>>, vector<1x16xf32>,
      %swap3A_511 = vector.shape_cast %swap3A_510 : vector<1x16xf32> to vector<16xf32>
      %swap3A_512 = vector.shape_cast %scan3A_486#4 : vector<16xf32> to vector<1x16xf32>
      tpu.vector_store %arg14[%swap3A_508, %swap3A_509], %swap3A_512 {strides = array<i32>} : memref<128x128xf32, #tpu.memory_space<vmem>>, vector<1x16xf32>,
      %swap3A_513 = arith.index_cast %add3A_459 : i32 to index
      %swap3A_514 = arith.constant 80 : index
      %swap3A_515 = tpu.vector_load %arg14[%swap3A_513, %swap3A_514] {strides = array<i32>} : memref<128x128xf32, #tpu.memory_space<vmem>>, vector<1x16xf32>,
      %swap3A_516 = vector.shape_cast %swap3A_515 : vector<1x16xf32> to vector<16xf32>
      %swap3A_517 = vector.shape_cast %scan3A_486#5 : vector<16xf32> to vector<1x16xf32>
      tpu.vector_store %arg14[%swap3A_513, %swap3A_514], %swap3A_517 {strides = array<i32>} : memref<128x128xf32, #tpu.memory_space<vmem>>, vector<1x16xf32>,
      %swap3A_518 = arith.index_cast %add3A_459 : i32 to index
      %swap3A_519 = arith.constant 96 : index
      %swap3A_520 = tpu.vector_load %arg14[%swap3A_518, %swap3A_519] {strides = array<i32>} : memref<128x128xf32, #tpu.memory_space<vmem>>, vector<1x16xf32>,
      %swap3A_521 = vector.shape_cast %swap3A_520 : vector<1x16xf32> to vector<16xf32>
      %swap3A_522 = vector.shape_cast %scan3A_486#6 : vector<16xf32> to vector<1x16xf32>
      tpu.vector_store %arg14[%swap3A_518, %swap3A_519], %swap3A_522 {strides = array<i32>} : memref<128x128xf32, #tpu.memory_space<vmem>>, vector<1x16xf32>,
      %swap3A_523 = arith.index_cast %add3A_459 : i32 to index
      %swap3A_524 = arith.constant 112 : index
      %swap3A_525 = tpu.vector_load %arg14[%swap3A_523, %swap3A_524] {strides = array<i32>} : memref<128x128xf32, #tpu.memory_space<vmem>>, vector<1x16xf32>,
      %swap3A_526 = vector.shape_cast %swap3A_525 : vector<1x16xf32> to vector<16xf32>
      %swap3A_527 = vector.shape_cast %scan3A_486#7 : vector<16xf32> to vector<1x16xf32>
      tpu.vector_store %arg14[%swap3A_523, %swap3A_524], %swap3A_527 {strides = array<i32>} : memref<128x128xf32, #tpu.memory_space<vmem>>, vector<1x16xf32>,
      %add3A_528 = arith.constant 8 : i32
      %add3A_529 = arith.addi %add3A_459, %add3A_528 : i32
      %lt3A_530 = arith.constant 128 : i32
      %lt3A_531 = arith.cmpi slt, %add3A_529, %lt3A_530 : i32
      %convert_element_type3A_532 = arith.extui %lt3A_531 : i1 to i32
      %cond3A_533 = arith.constant 0 : i32
      %cond3A_534 = arith.cmpi ne, %convert_element_type3A_532, %cond3A_533 : i32
      scf.if %cond3A_534 {
        %add3A_693 = arith.constant 8 : i32
        %add3A_694 = arith.addi %add3A_459, %add3A_693 : i32
        %dma_start3A_695 = arith.constant 0 : i32
        %dma_start3A_696 = tpu.memref_slice %arg5[%add3A_694, %dma_start3A_695] : memref<128x50xi32, #tpu.memory_space<vmem>> -> memref<1x50xi32, #tpu.memory_space<vmem>>
        %dma_start3A_697 = tpu.memref_squeeze %dma_start3A_696 : memref<1x50xi32, #tpu.memory_space<vmem>> -> memref<50xi32, #tpu.memory_space<vmem>>
        %dma_start3A_698 = arith.constant 0 : i32
        %dma_start3A_699 = arith.constant 0 : i32
        %dma_start3A_700 = tpu.memref_slice %arg3[%dma_start3A_698, %dma_start3A_699] : memref<100000x128xf32, #tpu.memory_space<hbm>> -> memref<100000x128xf32, #tpu.memory_space<hbm>>
        tpu.enqueue_indirect_dma source(%dma_start3A_700 : memref<100000x128xf32, #tpu.memory_space<hbm>>) target(%arg11 : memref<50x128xf32, #tpu.memory_space<vmem>>) offsets(%dma_start3A_697 : memref<50xi32, #tpu.memory_space<vmem>>) semaphore(%arg20 : memref<!tpu.dma_semaphore, #tpu.memory_space<semaphore_mem>>)
      } else {
      }
      %mul3A_535 = arith.constant 8 : i32
      %mul3A_536 = arith.muli %add3A_66, %mul3A_535 : i32
      %add3A_537 = arith.constant 6 : i32
      %add3A_538 = arith.addi %mul3A_536, %add3A_537 : i32
      %dma_wait3A_539 = arith.constant 0 : i32
      %dma_wait3A_540 = tpu.memref_slice %arg5[%add3A_538, %dma_wait3A_539] : memref<128x50xi32, #tpu.memory_space<vmem>> -> memref<1x50xi32, #tpu.memory_space<vmem>>
      %dma_wait3A_541 = tpu.memref_squeeze %dma_wait3A_540 : memref<1x50xi32, #tpu.memory_space<vmem>> -> memref<50xi32, #tpu.memory_space<vmem>>
      %dma_wait3A_542 = arith.constant 0 : i32
      %dma_wait3A_543 = arith.constant 0 : i32
      %dma_wait3A_544 = tpu.memref_slice %arg3[%dma_wait3A_542, %dma_wait3A_543] : memref<100000x128xf32, #tpu.memory_space<hbm>> -> memref<100000x128xf32, #tpu.memory_space<hbm>>
      tpu.wait_indirect_dma semaphore(%arg21 : memref<!tpu.dma_semaphore, #tpu.memory_space<semaphore_mem>>) src(%dma_wait3A_544 : memref<100000x128xf32, #tpu.memory_space<hbm>>) dst(%arg12 : memref<50x128xf32, #tpu.memory_space<vmem>>)
      %broadcast_in_dim3A_545 = arith.constant 0.000000e+00 : f32
      %broadcast_in_dim3A_546 = vector.broadcast %broadcast_in_dim3A_545 : f32 to vector<16xf32>
      %broadcast_in_dim3A_547 = arith.constant 0.000000e+00 : f32
      %broadcast_in_dim3A_548 = vector.broadcast %broadcast_in_dim3A_547 : f32 to vector<16xf32>
      %broadcast_in_dim3A_549 = arith.constant 0.000000e+00 : f32
      %broadcast_in_dim3A_550 = vector.broadcast %broadcast_in_dim3A_549 : f32 to vector<16xf32>
      %broadcast_in_dim3A_551 = arith.constant 0.000000e+00 : f32
      %broadcast_in_dim3A_552 = vector.broadcast %broadcast_in_dim3A_551 : f32 to vector<16xf32>
      %broadcast_in_dim3A_553 = arith.constant 0.000000e+00 : f32
      %broadcast_in_dim3A_554 = vector.broadcast %broadcast_in_dim3A_553 : f32 to vector<16xf32>
      %broadcast_in_dim3A_555 = arith.constant 0.000000e+00 : f32
      %broadcast_in_dim3A_556 = vector.broadcast %broadcast_in_dim3A_555 : f32 to vector<16xf32>
      %broadcast_in_dim3A_557 = arith.constant 0.000000e+00 : f32
      %broadcast_in_dim3A_558 = vector.broadcast %broadcast_in_dim3A_557 : f32 to vector<16xf32>
      %broadcast_in_dim3A_559 = arith.constant 0.000000e+00 : f32
      %broadcast_in_dim3A_560 = vector.broadcast %broadcast_in_dim3A_559 : f32 to vector<16xf32>
      %scan3A_561 = arith.constant 0 : i32
      %scan3A_562 = arith.constant 50 : i32
      %scan3A_563 = arith.addi %scan3A_561, %scan3A_562 : i32
      %scan3A_564 = arith.constant 1 : i32
      %scan3A_565:8 = scf.for %scan3A_693 = %scan3A_561 to %scan3A_563 step %scan3A_564 iter_args(%scan3A_694 = %broadcast_in_dim3A_546, %scan3A_695 = %broadcast_in_dim3A_548, %scan3A_696 = %broadcast_in_dim3A_550, %scan3A_697 = %broadcast_in_dim3A_552, %scan3A_698 = %broadcast_in_dim3A_554, %scan3A_699 = %broadcast_in_dim3A_556, %scan3A_700 = %broadcast_in_dim3A_558, %scan3A_701 = %broadcast_in_dim3A_560) -> (vector<16xf32>, vector<16xf32>, vector<16xf32>, vector<16xf32>, vector<16xf32>, vector<16xf32>, vector<16xf32>, vector<16xf32>)  : i32 {
        %get3A = arith.index_cast %scan3A_693 : i32 to index
        %get3A_702 = arith.constant 0 : index
        %get3A_703 = tpu.vector_load %arg12[%get3A, %get3A_702] {strides = array<i32>} : memref<50x128xf32, #tpu.memory_space<vmem>>, vector<1x16xf32>,
        %get3A_704 = vector.shape_cast %get3A_703 : vector<1x16xf32> to vector<16xf32>
        %add3A_705 = arith.addf %scan3A_694, %get3A_704 : vector<16xf32>
        %get3A_706 = arith.index_cast %scan3A_693 : i32 to index
        %get3A_707 = arith.constant 16 : index
        %get3A_708 = tpu.vector_load %arg12[%get3A_706, %get3A_707] {strides = array<i32>} : memref<50x128xf32, #tpu.memory_space<vmem>>, vector<1x16xf32>,
        %get3A_709 = vector.shape_cast %get3A_708 : vector<1x16xf32> to vector<16xf32>
        %add3A_710 = arith.addf %scan3A_695, %get3A_709 : vector<16xf32>
        %get3A_711 = arith.index_cast %scan3A_693 : i32 to index
        %get3A_712 = arith.constant 32 : index
        %get3A_713 = tpu.vector_load %arg12[%get3A_711, %get3A_712] {strides = array<i32>} : memref<50x128xf32, #tpu.memory_space<vmem>>, vector<1x16xf32>,
        %get3A_714 = vector.shape_cast %get3A_713 : vector<1x16xf32> to vector<16xf32>
        %add3A_715 = arith.addf %scan3A_696, %get3A_714 : vector<16xf32>
        %get3A_716 = arith.index_cast %scan3A_693 : i32 to index
        %get3A_717 = arith.constant 48 : index
        %get3A_718 = tpu.vector_load %arg12[%get3A_716, %get3A_717] {strides = array<i32>} : memref<50x128xf32, #tpu.memory_space<vmem>>, vector<1x16xf32>,
        %get3A_719 = vector.shape_cast %get3A_718 : vector<1x16xf32> to vector<16xf32>
        %add3A_720 = arith.addf %scan3A_697, %get3A_719 : vector<16xf32>
        %get3A_721 = arith.index_cast %scan3A_693 : i32 to index
        %get3A_722 = arith.constant 64 : index
        %get3A_723 = tpu.vector_load %arg12[%get3A_721, %get3A_722] {strides = array<i32>} : memref<50x128xf32, #tpu.memory_space<vmem>>, vector<1x16xf32>,
        %get3A_724 = vector.shape_cast %get3A_723 : vector<1x16xf32> to vector<16xf32>
        %add3A_725 = arith.addf %scan3A_698, %get3A_724 : vector<16xf32>
        %get3A_726 = arith.index_cast %scan3A_693 : i32 to index
        %get3A_727 = arith.constant 80 : index
        %get3A_728 = tpu.vector_load %arg12[%get3A_726, %get3A_727] {strides = array<i32>} : memref<50x128xf32, #tpu.memory_space<vmem>>, vector<1x16xf32>,
        %get3A_729 = vector.shape_cast %get3A_728 : vector<1x16xf32> to vector<16xf32>
        %add3A_730 = arith.addf %scan3A_699, %get3A_729 : vector<16xf32>
        %get3A_731 = arith.index_cast %scan3A_693 : i32 to index
        %get3A_732 = arith.constant 96 : index
        %get3A_733 = tpu.vector_load %arg12[%get3A_731, %get3A_732] {strides = array<i32>} : memref<50x128xf32, #tpu.memory_space<vmem>>, vector<1x16xf32>,
        %get3A_734 = vector.shape_cast %get3A_733 : vector<1x16xf32> to vector<16xf32>
        %add3A_735 = arith.addf %scan3A_700, %get3A_734 : vector<16xf32>
        %get3A_736 = arith.index_cast %scan3A_693 : i32 to index
        %get3A_737 = arith.constant 112 : index
        %get3A_738 = tpu.vector_load %arg12[%get3A_736, %get3A_737] {strides = array<i32>} : memref<50x128xf32, #tpu.memory_space<vmem>>, vector<1x16xf32>,
        %get3A_739 = vector.shape_cast %get3A_738 : vector<1x16xf32> to vector<16xf32>
        %add3A_740 = arith.addf %scan3A_701, %get3A_739 : vector<16xf32>
        scf.yield %add3A_705, %add3A_710, %add3A_715, %add3A_720, %add3A_725, %add3A_730, %add3A_735, %add3A_740 : vector<16xf32>, vector<16xf32>, vector<16xf32>, vector<16xf32>, vector<16xf32>, vector<16xf32>, vector<16xf32>, vector<16xf32>
      }
      %scan3A_566 = arith.constant 50 : i32
      %swap3A_567 = arith.index_cast %add3A_538 : i32 to index
      %swap3A_568 = arith.constant 0 : index
      %swap3A_569 = tpu.vector_load %arg14[%swap3A_567, %swap3A_568] {strides = array<i32>} : memref<128x128xf32, #tpu.memory_space<vmem>>, vector<1x16xf32>,
      %swap3A_570 = vector.shape_cast %swap3A_569 : vector<1x16xf32> to vector<16xf32>
      %swap3A_571 = vector.shape_cast %scan3A_565#0 : vector<16xf32> to vector<1x16xf32>
      tpu.vector_store %arg14[%swap3A_567, %swap3A_568], %swap3A_571 {strides = array<i32>} : memref<128x128xf32, #tpu.memory_space<vmem>>, vector<1x16xf32>,
      %swap3A_572 = arith.index_cast %add3A_538 : i32 to index
      %swap3A_573 = arith.constant 16 : index
      %swap3A_574 = tpu.vector_load %arg14[%swap3A_572, %swap3A_573] {strides = array<i32>} : memref<128x128xf32, #tpu.memory_space<vmem>>, vector<1x16xf32>,
      %swap3A_575 = vector.shape_cast %swap3A_574 : vector<1x16xf32> to vector<16xf32>
      %swap3A_576 = vector.shape_cast %scan3A_565#1 : vector<16xf32> to vector<1x16xf32>
      tpu.vector_store %arg14[%swap3A_572, %swap3A_573], %swap3A_576 {strides = array<i32>} : memref<128x128xf32, #tpu.memory_space<vmem>>, vector<1x16xf32>,
      %swap3A_577 = arith.index_cast %add3A_538 : i32 to index
      %swap3A_578 = arith.constant 32 : index
      %swap3A_579 = tpu.vector_load %arg14[%swap3A_577, %swap3A_578] {strides = array<i32>} : memref<128x128xf32, #tpu.memory_space<vmem>>, vector<1x16xf32>,
      %swap3A_580 = vector.shape_cast %swap3A_579 : vector<1x16xf32> to vector<16xf32>
      %swap3A_581 = vector.shape_cast %scan3A_565#2 : vector<16xf32> to vector<1x16xf32>
      tpu.vector_store %arg14[%swap3A_577, %swap3A_578], %swap3A_581 {strides = array<i32>} : memref<128x128xf32, #tpu.memory_space<vmem>>, vector<1x16xf32>,
      %swap3A_582 = arith.index_cast %add3A_538 : i32 to index
      %swap3A_583 = arith.constant 48 : index
      %swap3A_584 = tpu.vector_load %arg14[%swap3A_582, %swap3A_583] {strides = array<i32>} : memref<128x128xf32, #tpu.memory_space<vmem>>, vector<1x16xf32>,
      %swap3A_585 = vector.shape_cast %swap3A_584 : vector<1x16xf32> to vector<16xf32>
      %swap3A_586 = vector.shape_cast %scan3A_565#3 : vector<16xf32> to vector<1x16xf32>
      tpu.vector_store %arg14[%swap3A_582, %swap3A_583], %swap3A_586 {strides = array<i32>} : memref<128x128xf32, #tpu.memory_space<vmem>>, vector<1x16xf32>,
      %swap3A_587 = arith.index_cast %add3A_538 : i32 to index
      %swap3A_588 = arith.constant 64 : index
      %swap3A_589 = tpu.vector_load %arg14[%swap3A_587, %swap3A_588] {strides = array<i32>} : memref<128x128xf32, #tpu.memory_space<vmem>>, vector<1x16xf32>,
      %swap3A_590 = vector.shape_cast %swap3A_589 : vector<1x16xf32> to vector<16xf32>
      %swap3A_591 = vector.shape_cast %scan3A_565#4 : vector<16xf32> to vector<1x16xf32>
      tpu.vector_store %arg14[%swap3A_587, %swap3A_588], %swap3A_591 {strides = array<i32>} : memref<128x128xf32, #tpu.memory_space<vmem>>, vector<1x16xf32>,
      %swap3A_592 = arith.index_cast %add3A_538 : i32 to index
      %swap3A_593 = arith.constant 80 : index
      %swap3A_594 = tpu.vector_load %arg14[%swap3A_592, %swap3A_593] {strides = array<i32>} : memref<128x128xf32, #tpu.memory_space<vmem>>, vector<1x16xf32>,
      %swap3A_595 = vector.shape_cast %swap3A_594 : vector<1x16xf32> to vector<16xf32>
      %swap3A_596 = vector.shape_cast %scan3A_565#5 : vector<16xf32> to vector<1x16xf32>
      tpu.vector_store %arg14[%swap3A_592, %swap3A_593], %swap3A_596 {strides = array<i32>} : memref<128x128xf32, #tpu.memory_space<vmem>>, vector<1x16xf32>,
      %swap3A_597 = arith.index_cast %add3A_538 : i32 to index
      %swap3A_598 = arith.constant 96 : index
      %swap3A_599 = tpu.vector_load %arg14[%swap3A_597, %swap3A_598] {strides = array<i32>} : memref<128x128xf32, #tpu.memory_space<vmem>>, vector<1x16xf32>,
      %swap3A_600 = vector.shape_cast %swap3A_599 : vector<1x16xf32> to vector<16xf32>
      %swap3A_601 = vector.shape_cast %scan3A_565#6 : vector<16xf32> to vector<1x16xf32>
      tpu.vector_store %arg14[%swap3A_597, %swap3A_598], %swap3A_601 {strides = array<i32>} : memref<128x128xf32, #tpu.memory_space<vmem>>, vector<1x16xf32>,
      %swap3A_602 = arith.index_cast %add3A_538 : i32 to index
      %swap3A_603 = arith.constant 112 : index
      %swap3A_604 = tpu.vector_load %arg14[%swap3A_602, %swap3A_603] {strides = array<i32>} : memref<128x128xf32, #tpu.memory_space<vmem>>, vector<1x16xf32>,
      %swap3A_605 = vector.shape_cast %swap3A_604 : vector<1x16xf32> to vector<16xf32>
      %swap3A_606 = vector.shape_cast %scan3A_565#7 : vector<16xf32> to vector<1x16xf32>
      tpu.vector_store %arg14[%swap3A_602, %swap3A_603], %swap3A_606 {strides = array<i32>} : memref<128x128xf32, #tpu.memory_space<vmem>>, vector<1x16xf32>,
      %add3A_607 = arith.constant 8 : i32
      %add3A_608 = arith.addi %add3A_538, %add3A_607 : i32
      %lt3A_609 = arith.constant 128 : i32
      %lt3A_610 = arith.cmpi slt, %add3A_608, %lt3A_609 : i32
      %convert_element_type3A_611 = arith.extui %lt3A_610 : i1 to i32
      %cond3A_612 = arith.constant 0 : i32
      %cond3A_613 = arith.cmpi ne, %convert_element_type3A_611, %cond3A_612 : i32
      scf.if %cond3A_613 {
        %add3A_693 = arith.constant 8 : i32
        %add3A_694 = arith.addi %add3A_538, %add3A_693 : i32
        %dma_start3A_695 = arith.constant 0 : i32
        %dma_start3A_696 = tpu.memref_slice %arg5[%add3A_694, %dma_start3A_695] : memref<128x50xi32, #tpu.memory_space<vmem>> -> memref<1x50xi32, #tpu.memory_space<vmem>>
        %dma_start3A_697 = tpu.memref_squeeze %dma_start3A_696 : memref<1x50xi32, #tpu.memory_space<vmem>> -> memref<50xi32, #tpu.memory_space<vmem>>
        %dma_start3A_698 = arith.constant 0 : i32
        %dma_start3A_699 = arith.constant 0 : i32
        %dma_start3A_700 = tpu.memref_slice %arg3[%dma_start3A_698, %dma_start3A_699] : memref<100000x128xf32, #tpu.memory_space<hbm>> -> memref<100000x128xf32, #tpu.memory_space<hbm>>
        tpu.enqueue_indirect_dma source(%dma_start3A_700 : memref<100000x128xf32, #tpu.memory_space<hbm>>) target(%arg12 : memref<50x128xf32, #tpu.memory_space<vmem>>) offsets(%dma_start3A_697 : memref<50xi32, #tpu.memory_space<vmem>>) semaphore(%arg21 : memref<!tpu.dma_semaphore, #tpu.memory_space<semaphore_mem>>)
      } else {
      }
      %mul3A_614 = arith.constant 8 : i32
      %mul3A_615 = arith.muli %add3A_66, %mul3A_614 : i32
      %add3A_616 = arith.constant 7 : i32
      %add3A_617 = arith.addi %mul3A_615, %add3A_616 : i32
      %dma_wait3A_618 = arith.constant 0 : i32
      %dma_wait3A_619 = tpu.memref_slice %arg5[%add3A_617, %dma_wait3A_618] : memref<128x50xi32, #tpu.memory_space<vmem>> -> memref<1x50xi32, #tpu.memory_space<vmem>>
      %dma_wait3A_620 = tpu.memref_squeeze %dma_wait3A_619 : memref<1x50xi32, #tpu.memory_space<vmem>> -> memref<50xi32, #tpu.memory_space<vmem>>
      %dma_wait3A_621 = arith.constant 0 : i32
      %dma_wait3A_622 = arith.constant 0 : i32
      %dma_wait3A_623 = tpu.memref_slice %arg3[%dma_wait3A_621, %dma_wait3A_622] : memref<100000x128xf32, #tpu.memory_space<hbm>> -> memref<100000x128xf32, #tpu.memory_space<hbm>>
      tpu.wait_indirect_dma semaphore(%arg22 : memref<!tpu.dma_semaphore, #tpu.memory_space<semaphore_mem>>) src(%dma_wait3A_623 : memref<100000x128xf32, #tpu.memory_space<hbm>>) dst(%arg13 : memref<50x128xf32, #tpu.memory_space<vmem>>)
      %broadcast_in_dim3A_624 = arith.constant 0.000000e+00 : f32
      %broadcast_in_dim3A_625 = vector.broadcast %broadcast_in_dim3A_624 : f32 to vector<16xf32>
      %broadcast_in_dim3A_626 = arith.constant 0.000000e+00 : f32
      %broadcast_in_dim3A_627 = vector.broadcast %broadcast_in_dim3A_626 : f32 to vector<16xf32>
      %broadcast_in_dim3A_628 = arith.constant 0.000000e+00 : f32
      %broadcast_in_dim3A_629 = vector.broadcast %broadcast_in_dim3A_628 : f32 to vector<16xf32>
      %broadcast_in_dim3A_630 = arith.constant 0.000000e+00 : f32
      %broadcast_in_dim3A_631 = vector.broadcast %broadcast_in_dim3A_630 : f32 to vector<16xf32>
      %broadcast_in_dim3A_632 = arith.constant 0.000000e+00 : f32
      %broadcast_in_dim3A_633 = vector.broadcast %broadcast_in_dim3A_632 : f32 to vector<16xf32>
      %broadcast_in_dim3A_634 = arith.constant 0.000000e+00 : f32
      %broadcast_in_dim3A_635 = vector.broadcast %broadcast_in_dim3A_634 : f32 to vector<16xf32>
      %broadcast_in_dim3A_636 = arith.constant 0.000000e+00 : f32
      %broadcast_in_dim3A_637 = vector.broadcast %broadcast_in_dim3A_636 : f32 to vector<16xf32>
      %broadcast_in_dim3A_638 = arith.constant 0.000000e+00 : f32
      %broadcast_in_dim3A_639 = vector.broadcast %broadcast_in_dim3A_638 : f32 to vector<16xf32>
      %scan3A_640 = arith.constant 0 : i32
      %scan3A_641 = arith.constant 50 : i32
      %scan3A_642 = arith.addi %scan3A_640, %scan3A_641 : i32
      %scan3A_643 = arith.constant 1 : i32
      %scan3A_644:8 = scf.for %scan3A_693 = %scan3A_640 to %scan3A_642 step %scan3A_643 iter_args(%scan3A_694 = %broadcast_in_dim3A_625, %scan3A_695 = %broadcast_in_dim3A_627, %scan3A_696 = %broadcast_in_dim3A_629, %scan3A_697 = %broadcast_in_dim3A_631, %scan3A_698 = %broadcast_in_dim3A_633, %scan3A_699 = %broadcast_in_dim3A_635, %scan3A_700 = %broadcast_in_dim3A_637, %scan3A_701 = %broadcast_in_dim3A_639) -> (vector<16xf32>, vector<16xf32>, vector<16xf32>, vector<16xf32>, vector<16xf32>, vector<16xf32>, vector<16xf32>, vector<16xf32>)  : i32 {
        %get3A = arith.index_cast %scan3A_693 : i32 to index
        %get3A_702 = arith.constant 0 : index
        %get3A_703 = tpu.vector_load %arg13[%get3A, %get3A_702] {strides = array<i32>} : memref<50x128xf32, #tpu.memory_space<vmem>>, vector<1x16xf32>,
        %get3A_704 = vector.shape_cast %get3A_703 : vector<1x16xf32> to vector<16xf32>
        %add3A_705 = arith.addf %scan3A_694, %get3A_704 : vector<16xf32>
        %get3A_706 = arith.index_cast %scan3A_693 : i32 to index
        %get3A_707 = arith.constant 16 : index
        %get3A_708 = tpu.vector_load %arg13[%get3A_706, %get3A_707] {strides = array<i32>} : memref<50x128xf32, #tpu.memory_space<vmem>>, vector<1x16xf32>,
        %get3A_709 = vector.shape_cast %get3A_708 : vector<1x16xf32> to vector<16xf32>
        %add3A_710 = arith.addf %scan3A_695, %get3A_709 : vector<16xf32>
        %get3A_711 = arith.index_cast %scan3A_693 : i32 to index
        %get3A_712 = arith.constant 32 : index
        %get3A_713 = tpu.vector_load %arg13[%get3A_711, %get3A_712] {strides = array<i32>} : memref<50x128xf32, #tpu.memory_space<vmem>>, vector<1x16xf32>,
        %get3A_714 = vector.shape_cast %get3A_713 : vector<1x16xf32> to vector<16xf32>
        %add3A_715 = arith.addf %scan3A_696, %get3A_714 : vector<16xf32>
        %get3A_716 = arith.index_cast %scan3A_693 : i32 to index
        %get3A_717 = arith.constant 48 : index
        %get3A_718 = tpu.vector_load %arg13[%get3A_716, %get3A_717] {strides = array<i32>} : memref<50x128xf32, #tpu.memory_space<vmem>>, vector<1x16xf32>,
        %get3A_719 = vector.shape_cast %get3A_718 : vector<1x16xf32> to vector<16xf32>
        %add3A_720 = arith.addf %scan3A_697, %get3A_719 : vector<16xf32>
        %get3A_721 = arith.index_cast %scan3A_693 : i32 to index
        %get3A_722 = arith.constant 64 : index
        %get3A_723 = tpu.vector_load %arg13[%get3A_721, %get3A_722] {strides = array<i32>} : memref<50x128xf32, #tpu.memory_space<vmem>>, vector<1x16xf32>,
        %get3A_724 = vector.shape_cast %get3A_723 : vector<1x16xf32> to vector<16xf32>
        %add3A_725 = arith.addf %scan3A_698, %get3A_724 : vector<16xf32>
        %get3A_726 = arith.index_cast %scan3A_693 : i32 to index
        %get3A_727 = arith.constant 80 : index
        %get3A_728 = tpu.vector_load %arg13[%get3A_726, %get3A_727] {strides = array<i32>} : memref<50x128xf32, #tpu.memory_space<vmem>>, vector<1x16xf32>,
        %get3A_729 = vector.shape_cast %get3A_728 : vector<1x16xf32> to vector<16xf32>
        %add3A_730 = arith.addf %scan3A_699, %get3A_729 : vector<16xf32>
        %get3A_731 = arith.index_cast %scan3A_693 : i32 to index
        %get3A_732 = arith.constant 96 : index
        %get3A_733 = tpu.vector_load %arg13[%get3A_731, %get3A_732] {strides = array<i32>} : memref<50x128xf32, #tpu.memory_space<vmem>>, vector<1x16xf32>,
        %get3A_734 = vector.shape_cast %get3A_733 : vector<1x16xf32> to vector<16xf32>
        %add3A_735 = arith.addf %scan3A_700, %get3A_734 : vector<16xf32>
        %get3A_736 = arith.index_cast %scan3A_693 : i32 to index
        %get3A_737 = arith.constant 112 : index
        %get3A_738 = tpu.vector_load %arg13[%get3A_736, %get3A_737] {strides = array<i32>} : memref<50x128xf32, #tpu.memory_space<vmem>>, vector<1x16xf32>,
        %get3A_739 = vector.shape_cast %get3A_738 : vector<1x16xf32> to vector<16xf32>
        %add3A_740 = arith.addf %scan3A_701, %get3A_739 : vector<16xf32>
        scf.yield %add3A_705, %add3A_710, %add3A_715, %add3A_720, %add3A_725, %add3A_730, %add3A_735, %add3A_740 : vector<16xf32>, vector<16xf32>, vector<16xf32>, vector<16xf32>, vector<16xf32>, vector<16xf32>, vector<16xf32>, vector<16xf32>
      }
      %scan3A_645 = arith.constant 50 : i32
      %swap3A_646 = arith.index_cast %add3A_617 : i32 to index
      %swap3A_647 = arith.constant 0 : index
      %swap3A_648 = tpu.vector_load %arg14[%swap3A_646, %swap3A_647] {strides = array<i32>} : memref<128x128xf32, #tpu.memory_space<vmem>>, vector<1x16xf32>,
      %swap3A_649 = vector.shape_cast %swap3A_648 : vector<1x16xf32> to vector<16xf32>
      %swap3A_650 = vector.shape_cast %scan3A_644#0 : vector<16xf32> to vector<1x16xf32>
      tpu.vector_store %arg14[%swap3A_646, %swap3A_647], %swap3A_650 {strides = array<i32>} : memref<128x128xf32, #tpu.memory_space<vmem>>, vector<1x16xf32>,
      %swap3A_651 = arith.index_cast %add3A_617 : i32 to index
      %swap3A_652 = arith.constant 16 : index
      %swap3A_653 = tpu.vector_load %arg14[%swap3A_651, %swap3A_652] {strides = array<i32>} : memref<128x128xf32, #tpu.memory_space<vmem>>, vector<1x16xf32>,
      %swap3A_654 = vector.shape_cast %swap3A_653 : vector<1x16xf32> to vector<16xf32>
      %swap3A_655 = vector.shape_cast %scan3A_644#1 : vector<16xf32> to vector<1x16xf32>
      tpu.vector_store %arg14[%swap3A_651, %swap3A_652], %swap3A_655 {strides = array<i32>} : memref<128x128xf32, #tpu.memory_space<vmem>>, vector<1x16xf32>,
      %swap3A_656 = arith.index_cast %add3A_617 : i32 to index
      %swap3A_657 = arith.constant 32 : index
      %swap3A_658 = tpu.vector_load %arg14[%swap3A_656, %swap3A_657] {strides = array<i32>} : memref<128x128xf32, #tpu.memory_space<vmem>>, vector<1x16xf32>,
      %swap3A_659 = vector.shape_cast %swap3A_658 : vector<1x16xf32> to vector<16xf32>
      %swap3A_660 = vector.shape_cast %scan3A_644#2 : vector<16xf32> to vector<1x16xf32>
      tpu.vector_store %arg14[%swap3A_656, %swap3A_657], %swap3A_660 {strides = array<i32>} : memref<128x128xf32, #tpu.memory_space<vmem>>, vector<1x16xf32>,
      %swap3A_661 = arith.index_cast %add3A_617 : i32 to index
      %swap3A_662 = arith.constant 48 : index
      %swap3A_663 = tpu.vector_load %arg14[%swap3A_661, %swap3A_662] {strides = array<i32>} : memref<128x128xf32, #tpu.memory_space<vmem>>, vector<1x16xf32>,
      %swap3A_664 = vector.shape_cast %swap3A_663 : vector<1x16xf32> to vector<16xf32>
      %swap3A_665 = vector.shape_cast %scan3A_644#3 : vector<16xf32> to vector<1x16xf32>
      tpu.vector_store %arg14[%swap3A_661, %swap3A_662], %swap3A_665 {strides = array<i32>} : memref<128x128xf32, #tpu.memory_space<vmem>>, vector<1x16xf32>,
      %swap3A_666 = arith.index_cast %add3A_617 : i32 to index
      %swap3A_667 = arith.constant 64 : index
      %swap3A_668 = tpu.vector_load %arg14[%swap3A_666, %swap3A_667] {strides = array<i32>} : memref<128x128xf32, #tpu.memory_space<vmem>>, vector<1x16xf32>,
      %swap3A_669 = vector.shape_cast %swap3A_668 : vector<1x16xf32> to vector<16xf32>
      %swap3A_670 = vector.shape_cast %scan3A_644#4 : vector<16xf32> to vector<1x16xf32>
      tpu.vector_store %arg14[%swap3A_666, %swap3A_667], %swap3A_670 {strides = array<i32>} : memref<128x128xf32, #tpu.memory_space<vmem>>, vector<1x16xf32>,
      %swap3A_671 = arith.index_cast %add3A_617 : i32 to index
      %swap3A_672 = arith.constant 80 : index
      %swap3A_673 = tpu.vector_load %arg14[%swap3A_671, %swap3A_672] {strides = array<i32>} : memref<128x128xf32, #tpu.memory_space<vmem>>, vector<1x16xf32>,
      %swap3A_674 = vector.shape_cast %swap3A_673 : vector<1x16xf32> to vector<16xf32>
      %swap3A_675 = vector.shape_cast %scan3A_644#5 : vector<16xf32> to vector<1x16xf32>
      tpu.vector_store %arg14[%swap3A_671, %swap3A_672], %swap3A_675 {strides = array<i32>} : memref<128x128xf32, #tpu.memory_space<vmem>>, vector<1x16xf32>,
      %swap3A_676 = arith.index_cast %add3A_617 : i32 to index
      %swap3A_677 = arith.constant 96 : index
      %swap3A_678 = tpu.vector_load %arg14[%swap3A_676, %swap3A_677] {strides = array<i32>} : memref<128x128xf32, #tpu.memory_space<vmem>>, vector<1x16xf32>,
      %swap3A_679 = vector.shape_cast %swap3A_678 : vector<1x16xf32> to vector<16xf32>
      %swap3A_680 = vector.shape_cast %scan3A_644#6 : vector<16xf32> to vector<1x16xf32>
      tpu.vector_store %arg14[%swap3A_676, %swap3A_677], %swap3A_680 {strides = array<i32>} : memref<128x128xf32, #tpu.memory_space<vmem>>, vector<1x16xf32>,
      %swap3A_681 = arith.index_cast %add3A_617 : i32 to index
      %swap3A_682 = arith.constant 112 : index
      %swap3A_683 = tpu.vector_load %arg14[%swap3A_681, %swap3A_682] {strides = array<i32>} : memref<128x128xf32, #tpu.memory_space<vmem>>, vector<1x16xf32>,
      %swap3A_684 = vector.shape_cast %swap3A_683 : vector<1x16xf32> to vector<16xf32>
      %swap3A_685 = vector.shape_cast %scan3A_644#7 : vector<16xf32> to vector<1x16xf32>
      tpu.vector_store %arg14[%swap3A_681, %swap3A_682], %swap3A_685 {strides = array<i32>} : memref<128x128xf32, #tpu.memory_space<vmem>>, vector<1x16xf32>,
      %add3A_686 = arith.constant 8 : i32
      %add3A_687 = arith.addi %add3A_617, %add3A_686 : i32
      %lt3A_688 = arith.constant 128 : i32
      %lt3A_689 = arith.cmpi slt, %add3A_687, %lt3A_688 : i32
      %convert_element_type3A_690 = arith.extui %lt3A_689 : i1 to i32
      %cond3A_691 = arith.constant 0 : i32
      %cond3A_692 = arith.cmpi ne, %convert_element_type3A_690, %cond3A_691 : i32
      scf.if %cond3A_692 {
        %add3A_693 = arith.constant 8 : i32
        %add3A_694 = arith.addi %add3A_617, %add3A_693 : i32
        %dma_start3A_695 = arith.constant 0 : i32
        %dma_start3A_696 = tpu.memref_slice %arg5[%add3A_694, %dma_start3A_695] : memref<128x50xi32, #tpu.memory_space<vmem>> -> memref<1x50xi32, #tpu.memory_space<vmem>>
        %dma_start3A_697 = tpu.memref_squeeze %dma_start3A_696 : memref<1x50xi32, #tpu.memory_space<vmem>> -> memref<50xi32, #tpu.memory_space<vmem>>
        %dma_start3A_698 = arith.constant 0 : i32
        %dma_start3A_699 = arith.constant 0 : i32
        %dma_start3A_700 = tpu.memref_slice %arg3[%dma_start3A_698, %dma_start3A_699] : memref<100000x128xf32, #tpu.memory_space<hbm>> -> memref<100000x128xf32, #tpu.memory_space<hbm>>
        tpu.enqueue_indirect_dma source(%dma_start3A_700 : memref<100000x128xf32, #tpu.memory_space<hbm>>) target(%arg13 : memref<50x128xf32, #tpu.memory_space<vmem>>) offsets(%dma_start3A_697 : memref<50xi32, #tpu.memory_space<vmem>>) semaphore(%arg22 : memref<!tpu.dma_semaphore, #tpu.memory_space<semaphore_mem>>)
      } else {
      }
    }
    %scan3A_61 = arith.constant 16 : i32
    "tpu.region"() ({
      %run_scoped3A = tpu.sem_alloc : memref<!tpu.dma_semaphore, #tpu.memory_space<semaphore_mem>>
      %dma_start3A_62 = arith.constant 0 : i32
      %dma_start3A_63 = tpu.memref_slice %arg4[%mul3A_2, %dma_start3A_62] : memref<4096x128xf32, #tpu.memory_space<hbm>> -> memref<128x128xf32, #tpu.memory_space<hbm>>
      %dma_start3A_64 = arith.constant 0 : i32
      %dma_start3A_65 = tpu.memref_slice %arg4[%mul3A_2, %dma_start3A_64] : memref<4096x128xf32, #tpu.memory_space<hbm>> -> memref<128x128xf32, #tpu.memory_space<hbm>>
      tpu.enqueue_dma source(%arg14 : memref<128x128xf32, #tpu.memory_space<vmem>>) target(%dma_start3A_65 : memref<128x128xf32, #tpu.memory_space<hbm>>) target_semaphore(%run_scoped3A : memref<!tpu.dma_semaphore, #tpu.memory_space<semaphore_mem>>)
      %dma_wait3A = arith.constant 0 : i32
      %dma_wait3A_66 = tpu.memref_slice %arg4[%mul3A_2, %dma_wait3A] : memref<4096x128xf32, #tpu.memory_space<hbm>> -> memref<128x128xf32, #tpu.memory_space<hbm>>
      %dma_wait3A_67 = arith.constant 0 : i32
      %dma_wait3A_68 = tpu.memref_slice %arg4[%mul3A_2, %dma_wait3A_67] : memref<4096x128xf32, #tpu.memory_space<hbm>> -> memref<128x128xf32, #tpu.memory_space<hbm>>
      tpu.wait_dma2 semaphore(%run_scoped3A : memref<!tpu.dma_semaphore, #tpu.memory_space<semaphore_mem>>) src(%arg14 : memref<128x128xf32, #tpu.memory_space<vmem>>) dst(%dma_wait3A_68 : memref<128x128xf32, #tpu.memory_space<hbm>>)
      tpu.yield
    }) : () -> ()
    return
  }
}

module attributes {stable_mosaic.version = 14 : i64} {
  func.func @_mlp_body(%arg0: i32, %arg1: memref<512x128xf32, #tpu.memory_space<vmem>>, %arg2: memref<128x128xf32, #tpu.memory_space<vmem>>, %arg3: memref<128x1xf32, #tpu.memory_space<vmem>>, %arg4: memref<128x1000xf32, #tpu.memory_space<vmem>>, %arg5: memref<1000x1xf32, #tpu.memory_space<vmem>>, %arg6: memref<1000x512xf32, #tpu.memory_space<vmem>>) attributes {dimension_semantics = [#tpu.dimension_semantics<arbitrary>], iteration_bounds = array<i64: 8>, scalar_prefetch = 0 : i64, scratch_operands = 0 : i64, tpu.core_type = #tpu.core_type<tc>, window_params = [{transform_indices = @transform_0, window_bounds = array<i64: 512, 128>}, {pipeline_mode = #tpu.pipeline_mode<synchronous>, transform_indices = @transform_1, window_bounds = array<i64: 128, 128>}, {pipeline_mode = #tpu.pipeline_mode<synchronous>, transform_indices = @transform_2, window_bounds = array<i64: 128, 1>}, {pipeline_mode = #tpu.pipeline_mode<synchronous>, transform_indices = @transform_3, window_bounds = array<i64: 128, 1000>}, {pipeline_mode = #tpu.pipeline_mode<synchronous>, transform_indices = @transform_4, window_bounds = array<i64: 1000, 1>}, {transform_indices = @transform_5, window_bounds = array<i64: 1000, 512>}]} {
    %get3A = arith.constant 0 : index
    %get3A_0 = arith.constant 0 : index
    %get3A_1 = vector.load %arg2[%get3A, %get3A_0] : memref<128x128xf32, #tpu.memory_space<vmem>>, vector<128x128xf32>
    %get3A_2 = arith.constant 0 : index
    %get3A_3 = arith.constant 0 : index
    %get3A_4 = vector.load %arg1[%get3A_2, %get3A_3] : memref<512x128xf32, #tpu.memory_space<vmem>>, vector<512x128xf32>
    %dot_general3A = arith.constant dense<0.000000e+00> : vector<128x512xf32>
    %dot_general3A_5 = tpu.matmul %get3A_1, %get3A_4, %dot_general3A {dimension_numbers = #tpu.dot_dimension_numbers<[0], [1], [1], [0], [0, 1, 1, 0], [], []>, transpose_lhs_hint = false} : vector<128x128xf32>, vector<512x128xf32>, vector<128x512xf32> -> vector<128x512xf32>
    %get3A_6 = arith.constant 0 : index
    %get3A_7 = arith.constant 0 : index
    %get3A_8 = vector.load %arg3[%get3A_6, %get3A_7] : memref<128x1xf32, #tpu.memory_space<vmem>>, vector<128x1xf32>
    %add3A = vector.broadcast %get3A_8 : vector<128x1xf32> to vector<128x512xf32>
    %add3A_9 = arith.addf %dot_general3A_5, %add3A : vector<128x512xf32>
    %get3A_10 = arith.constant 0 : index
    %get3A_11 = arith.constant 0 : index
    %get3A_12 = vector.load %arg4[%get3A_10, %get3A_11] : memref<128x1000xf32, #tpu.memory_space<vmem>>, vector<128x1000xf32>
    %dot_general3A_13 = arith.constant dense<0.000000e+00> : vector<1000x512xf32>
    %dot_general3A_14 = tpu.matmul %get3A_12, %add3A_9, %dot_general3A_13 {dimension_numbers = #tpu.dot_dimension_numbers<[0], [0], [1], [1], [0, 1, 1, 1], [], []>, transpose_lhs_hint = false} : vector<128x1000xf32>, vector<128x512xf32>, vector<1000x512xf32> -> vector<1000x512xf32>
    %get3A_15 = arith.constant 0 : index
    %get3A_16 = arith.constant 0 : index
    %get3A_17 = vector.load %arg5[%get3A_15, %get3A_16] : memref<1000x1xf32, #tpu.memory_space<vmem>>, vector<1000x1xf32>
    %add3A_18 = vector.broadcast %get3A_17 : vector<1000x1xf32> to vector<1000x512xf32>
    %add3A_19 = arith.addf %dot_general3A_14, %add3A_18 : vector<1000x512xf32>
    %swap3A = arith.constant 0 : index
    %swap3A_20 = arith.constant 0 : index
    %swap3A_21 = vector.load %arg6[%swap3A, %swap3A_20] : memref<1000x512xf32, #tpu.memory_space<vmem>>, vector<1000x512xf32>
    tpu.vector_store %arg6[%swap3A, %swap3A_20], %add3A_19 {strides = array<i32>} : memref<1000x512xf32, #tpu.memory_space<vmem>>, vector<1000x512xf32>,
    return
  }
  func.func @transform_0(%arg0: i32) -> (i32, i32) {
    %c0_i32 = arith.constant 0 : i32
    %c0_i32_0 = arith.constant 0 : i32
    return %arg0, %c0_i32 : i32, i32
  }
  func.func @transform_1(%arg0: i32) -> (i32, i32) {
    %c0_i32 = arith.constant 0 : i32
    %c0_i32_0 = arith.constant 0 : i32
    %c0_i32_1 = arith.constant 0 : i32
    return %c0_i32, %c0_i32_0 : i32, i32
  }
  func.func @transform_2(%arg0: i32) -> (i32, i32) {
    %c0_i32 = arith.constant 0 : i32
    %c0_i32_0 = arith.constant 0 : i32
    %c0_i32_1 = arith.constant 0 : i32
    return %c0_i32, %c0_i32_0 : i32, i32
  }
  func.func @transform_3(%arg0: i32) -> (i32, i32) {
    %c0_i32 = arith.constant 0 : i32
    %c0_i32_0 = arith.constant 0 : i32
    %c0_i32_1 = arith.constant 0 : i32
    return %c0_i32, %c0_i32_0 : i32, i32
  }
  func.func @transform_4(%arg0: i32) -> (i32, i32) {
    %c0_i32 = arith.constant 0 : i32
    %c0_i32_0 = arith.constant 0 : i32
    %c0_i32_1 = arith.constant 0 : i32
    return %c0_i32, %c0_i32_0 : i32, i32
  }
  func.func @transform_5(%arg0: i32) -> (i32, i32) {
    %c0_i32 = arith.constant 0 : i32
    %c0_i32_0 = arith.constant 0 : i32
    return %c0_i32, %arg0 : i32, i32
  }
}

</mosaic_0001>

<sc_bundles>
// kernel: kernel.4.cloned.1.call-start
scs
__scs_entry_jumppad:
0x0: {  	(pc) =	sbr.rel $0x88, $3  }
0x1: {  	(tag) =	ssettag $0x0;
	lr =	simm.s32 $0x1  }
0x2: {  	[smem:$0x3F9B] =	sst lr;
	_ =	strace $0xD0000000  }
0x3: {  	_ = 	snop  }
0x4: {  	_ = 	snop  }
0x5: {  	_ = 	snop  }
0x6: {  	_ = 	snop  }
0x7: {  	_ = 	snop  }
__scs_overlays_trampoline_lowered:
0x8: {  	[smem:$0x3FAA] =	sst s0  }
0x9: {  	[smem:$0x3FAB] =	sst s1  }
0xa: {  	[smem:$0x3FAC] =	sst s2  }
0xb: {  	[smem:$0x3FAD] =	sst s3  }
0xc: {  	[smem:$0x3FAE] =	sst s4  }
0xd: {  	[smem:$0x3FAF] =	sst s5  }
0xe: {  	[smem:$0x3FB0] =	sst s6  }
0xf: {  	[smem:$0x3FB1] =	sst s7  }
0x10: {  	[smem:$0x3FB2] =	sst s8  }
0x11: {  	[smem:$0x3FB3] =	sst s9;
	s0 =	simm.s32 @!p0 $0x0  }
0x12: {  	s1 =	sld [smem:$0x3F99];
	s0 =	simm.s32 @p0 $0x1  }
0x13: {  	[smem:$0x3FB4] =	sst s0;
	s0 =	simm.s32 @!p1 $0x0  }
0x14: {  	s2 =	sld [smem:$0x3F98];
	s0 =	simm.s32 @p1 $0x1  }
0x15: {  	[smem:$0x3FB5] =	sst s0;
	s0 =	simm.s32 @!p2 $0x0  }
0x16: {  	s3 =	sld [smem:$0x3FDB];
	s0 =	simm.s32 @p2 $0x1  }
0x17: {  	s4 =	simm.s32 $0x1BF5;
	[smem:$0x3FB7] =	sst s0  }
0x18: {  	s0 =	sld [smem:$0x3F9A];
	_ =	swait.ge [sflag:s4], $0x0  }
0x19: {  	s7 =	sld [smem:$0x3F9B]  }
0x1a: {  	s8 =	sadd.s32 $0xFFFFE003, lr  }
0x1b: {  	s9 =	sadd.s32 $0xFFFFFEF7, lr;
	s5 =	simm.s32 $0xFFFFFFFF;
	p2 =	slt.u32 s8, $0xFFFFF086  }
0x1c: {  	p1 =	slt.u32 s9, $0xF7A;
	s5 =	simm.s32 @!p2 $0x0  }
0x1d: {  	s5 =	simm.s32 @p1 $0x1;
	p0 =	seq.s32 s7, s2  }
0x1e: {  	s7 =	smul.u32 @!p0 $0xF7A, s2;
	p2 =	seq.s32 @!p0 s5, $0x0  }
0x1f: {  	s9 =	smul.u32 $0xF7A, s1;
	s8 =	simm.s32 @!p0 $0x1BF5;
	p2 =	por !p2, p0  }
0x20: {  	[sflag:s8] =	ssyncset.s32 @!p0 $0xFFFFF086;
	s6 =	sadd.s32 @!p0 s3, s7;
	s7 =	simm.s32 @!p0 $0x108  }
0x21: {  	s3 =	sadd.s32 s3, s9;
	s6 =	sadd.s32 @!p0 $0x88, s6;
	s7 =	simm.s32 @p2 $0x1082  }
0x22: {  	[simem:s7], [sflag:s8] =	dma.local @!p0 [hbm:s6], $0xF7A  }
0x23: {  	s9 =	sor.u32 $0xD0000000, s2;
	s6 =	simm.s32 $0x108;
	_ =	swait.ge @!p0 [sflag:s8], $0x0  }
0x24: {  	s3 =	sadd.s32 $0x88, s3;
	s6 =	simm.s32 @!p1 $0x1082;
	[sflag:s4] =	ssyncset.s32 $0xFFFFF086  }
0x25: {  	[simem:s6], [sflag:s4] =	dma.local [hbm:s3], $0xF7A  }
0x26: {  	[smem:$0x3F9B] =	sst s1;
	(tag) =	ssettag s2;
	_ =	strace s9  }
0x27: {  	s1 =	sld [smem:$0x3FAB]  }
0x28: {  	s2 =	sld [smem:$0x3FAC]  }
0x29: {  	s4 =	sld [smem:$0x3FAE]  }
0x2a: {  	p0 =	seq.s32 s5, $0x0;
	s5 =	sld [smem:$0x3FAF]  }
0x2b: {  	s6 =	sld [smem:$0x3FB0]  }
0x2c: {  	s7 =	sld [smem:$0x3FB1]  }
0x2d: {  	s3 =	simm.s32 $0x108;
	s8 =	sld [smem:$0x3FB2]  }
0x2e: {  	s3 =	simm.s32 @!p0 $0x1082;
	s9 =	sld [smem:$0x3FB3]  }
0x2f: {  	lr =	sadd.s32 s0, s3;
	s0 =	sld [smem:$0x3FAA]  }
0x30: {  	s3 =	sld [smem:$0x3FAD]  }
0x31: {  	[smem:$0x3FB6] =	sst s10  }
0x32: {  	s10 =	sld [smem:$0x3FB4];
	_ =	sdelay $0x3  }
0x33: {  	p0 =	seq.s32 s10, $0x1;
	s10 =	sld [smem:$0x3FB6];
	_ =	sdelay $0x3  }
0x34: {  	[smem:$0x3FB6] =	sst s10  }
0x35: {  	s10 =	sld [smem:$0x3FB5];
	_ =	sdelay $0x3  }
0x36: {  	p1 =	seq.s32 s10, $0x1;
	s10 =	sld [smem:$0x3FB6];
	_ =	sdelay $0x3  }
0x37: {  	[smem:$0x3FB6] =	sst s10  }
0x38: {  	s10 =	sld [smem:$0x3FB7]  }
0x39: {  	_ = 	snop;
	(pc) =	sbr.ind lr, $3  }
0x3a: {  	_ = 	snop  }
0x3b: {  	_ = 	snop  }
0x3c: {  	p2 =	seq.s32 s10, $0x1;
	s10 =	sld [smem:$0x3FB6]  }
0x3d: {  	_ =	shalt  }
0x3e: {  	_ =	shalt  }
0x3f: {  	_ =	shalt  }
0x40: {  	_ =	shalt  }
0x41: {  	_ =	shalt  }
0x42: {  	_ =	shalt  }
0x43: {  	_ =	shalt  }
0x44: {  	_ =	shalt  }
0x45: {  	_ =	shalt  }
0x46: {  	_ =	shalt  }
0x47: {  	_ =	shalt  }
0x48: {  	_ =	shalt  }
0x49: {  	_ =	shalt  }
0x4a: {  	_ =	shalt  }
0x4b: {  	_ =	shalt  }
0x4c: {  	_ =	shalt  }
0x4d: {  	_ =	shalt  }
0x4e: {  	_ =	shalt  }
0x4f: {  	_ =	shalt  }
0x50: {  	_ =	shalt  }
0x51: {  	_ =	shalt  }
0x52: {  	_ =	shalt  }
0x53: {  	_ =	shalt  }
0x54: {  	_ =	shalt  }
0x55: {  	_ =	shalt  }
0x56: {  	_ =	shalt  }
0x57: {  	_ =	shalt  }
0x58: {  	_ =	shalt  }
0x59: {  	_ =	shalt  }
0x5a: {  	_ =	shalt  }
0x5b: {  	_ =	shalt  }
0x5c: {  	_ =	shalt  }
0x5d: {  	_ =	shalt  }
0x5e: {  	_ =	shalt  }
0x5f: {  	_ =	shalt  }
0x60: {  	_ =	shalt  }
0x61: {  	_ =	shalt  }
0x62: {  	_ =	shalt  }
0x63: {  	_ =	shalt  }
0x64: {  	_ =	shalt  }
0x65: {  	_ =	shalt  }
0x66: {  	_ =	shalt  }
0x67: {  	_ =	shalt  }
0x68: {  	_ =	shalt  }
0x69: {  	_ =	shalt  }
0x6a: {  	_ =	shalt  }
0x6b: {  	_ =	shalt  }
0x6c: {  	_ =	shalt  }
0x6d: {  	_ =	shalt  }
0x6e: {  	_ =	shalt  }
0x6f: {  	_ =	shalt  }
0x70: {  	_ =	shalt  }
0x71: {  	_ =	shalt  }
0x72: {  	_ =	shalt  }
0x73: {  	_ =	shalt  }
0x74: {  	_ =	shalt  }
0x75: {  	_ =	shalt  }
0x76: {  	_ =	shalt  }
0x77: {  	_ =	shalt  }
0x78: {  	_ =	shalt  }
0x79: {  	_ =	shalt  }
0x7a: {  	_ =	shalt  }
0x7b: {  	_ =	shalt  }
0x7c: {  	_ =	shalt  }
0x7d: {  	_ =	shalt  }
0x7e: {  	_ =	shalt  }
0x7f: {  	_ =	shalt  }
0x80: {  	_ =	shalt  }
0x81: {  	_ =	shalt  }
0x82: {  	_ =	shalt  }
0x83: {  	_ =	shalt  }
0x84: {  	_ =	shalt  }
0x85: {  	_ =	shalt  }
0x86: {  	_ =	shalt  }
0x87: {  	_ =	shalt  }
.Lfunc_end0:
.L_simem_size_0:
called_computation_lowered:
.L_overlay_start_0:
0x88: {  	s2 =	sld [smem:$0x3FD9]  }
0x89: {  	s3 =	sld [smem:$0x3FFE];
	_ =	sdelay $0x1  }
0x8a: {  	s1 =	srdreg.scid  }
0x8b: {  	s0 =	sand.u32 $0x1, s1  }
0x8c: {  	s17 =	sshll.u32 s0, $0xA;
	s2 =	sadd.s32 s3, s2  }
0x8d: {  	s2 =	sadd.s32 s2, s17  }
0x8e: {  	[smem:$0x3FC2] =	sst s2  }
0x8f: {  	_ = 	snop  }
0x90: {  	s2 =	sld [smem:$0x3FC8]  }
0x91: {  	s18 =	sld [smem:$0x3FD0];
	(tm) =	ssettm $0x1  }
0x92: {  	s4 =	sld [smem:$0x3FFB];
	_ =	sdelay $0x3  }
0x93: {  	_ =	strace s4  }
0x94: {  	s4 =	sld [smem:$0x3FFC];
	_ =	sdelay $0x3  }
0x95: {  	_ =	strace s4  }
0x96: {  	s4 =	sld [smem:$0x3FFD];
	_ =	sdelay $0x3  }
0x97: {  	_ =	strace s4  }
0x98: {  	_ =	strace $0x8FFFFFFF  }
0x99: {  	s19 =	sld [smem:$0x3FDB];
	_ =	sdelay $0x1  }
0x9a: {  	s5 =	simm.s32 $_scs_section_size  }
0x9b: {  	s6 =	simm.s32 $_size__tile_overlayer_lowered;
	s7 =	simm.s32 $_tile_overlayer_lowered  }
0x9c: {  	s22 =	simm.s32 $0x1BFF;
	s21 =	sshll.u32 s7, $0x1;
	s4 =	sadd.s32 s5, s19  }
0x9d: {  	s8 =	simm.s32 $0x0;
	s20 =	sshll.u32 s6, $0x1;
	s6 =	sadd.s32 s21, s4  }
0x9e: {  	[timem:s8], [sflag:s22] =	dma.local [hbm:s6], s20  }
0x9f: {  	_ =	swait.ge [sflag:s22], s20  }
0xa0: {  	s5 =	ssub.s32 $0x0, s20;
	[sflag:s22] =	ssyncset.done $0x0  }
0xa1: {  	[sflag:s22] =	ssyncadd.s32 s5;
	_ =	sdelay $0x1  }
0xa2: {  	s23 =	simm.s32 $0x1B8B  }
0xa3: {  	_ =	swait.ge [sflag:s23], $0x1  }
0xa4: {  	[sflag:s23] =	ssyncset.done $0x0  }
0xa5: {  	s25 =	simm.s32 $0x1B8E;
	s24 =	sld [smem:$0x3FFE];
	[sflag:s23] =	ssyncadd.s32 $0xFFFFFFFF  }
0xa6: {  	s26 =	simm.s32 $execute0_lowered;
	[smem:$0x3FD2] =	sst s25  }
0xa7: {  	s6 =	sshll.u32 s26, $0x1;
	_ =	strace $0x80000046;
	[dreg:$0x1] =	wrdreg $0xFFFFFFFF  }
0xa8: {  	s28 =	simm.s32 $_size_execute0_lowered;
	s4 =	sadd.s32 s4, s6;
	[dreg:$0x0] =	wrdreg $0x0  }
0xa9: {  	s6 =	sshll.u32 s28, $0x1;
	[dreg:$0x2] =	wrdreg s4  }
0xaa: {  	[dreg:$0x3] =	wrdreg s6  }
0xab: {  	[dreg:$0x4] =	wrdreg $0xC0  }
0xac: {  	_ =	task [dreg:s8], $0x5FFFF  }
0xad: {  	[dreg:$0x1] =	wrdreg $0xFFFFFFFF  }
0xae: {  	[dreg:$0x0] =	wrdreg $0x60  }
0xaf: {  	[dreg:$0x2] =	wrdreg s18  }
0xb0: {  	[dreg:$0x3] =	wrdreg s2  }
0xb1: {  	[dreg:$0x4] =	wrdreg s24  }
0xb2: {  	[dreg:$0x5] =	wrdreg $0x9  }
0xb3: {  	_ =	task.clear_ibuf [dreg:s8], $0x6FFFF;
	_ =	strace $0x90000046  }
0xb4: {  	s29 =	simm.s32 $0x9;
	_ =	strace $0x80000048  }
0xb5: {  	_ =	swait.ge [sflag:s29], $0x1  }
0xb6: {  	[sflag:s29] =	ssyncadd.s32 $0xFFFFFFFF  }
0xb7: {  	_ =	strace $0x90000048  }
0xb8: {  	_ =	sfence  }
0xb9: {  	s30 =	sld [smem:$0x0];
	_ =	sdelay $0x2  }
0xba: {  	s31 =	sshll.u32 s1, $0xD;
	s1 =	sshrl.u32 s1, $0x2  }
0xbb: {  	s3 =	sand.u32 $0x4000, s31;
	s1 =	sadd.s32 s1, s30  }
0xbc: {  	s0 =	sor.u32 s3, s0;
	s1 =	sshll.u32 s1, $0x11  }
0xbd: {  	s0 =	sor.u32 s1, s0  }
0xbe: {  	s0 =	sadd.s32 $0x8F2B, s0  }
0xbf: {  	[sflag:s0] =	ssyncadd.remote.s32 $0x1  }
0xc0: {  	_ =	sfence.sel $0xFFFF  }
0xc1: {  	[dreg:$0x0] =	wrdreg $0xFFFFFFFF;
	(pc) =	sbr.abs _section_cstart, $3  }
0xc2: {  	[dreg:$0x1] =	wrdreg $0xFFFFFFFF  }
0xc3: {  	_ =	task.clear_ibuf [dreg:s8], $0x2FFFF;
	_ =	strace $0x9FFFFFFF  }
0xc4: {  	(tm) =	ssettm $0x7FFFFFFF  }
0xc5: {  	_ =	shalt  }
tec
execute0_lowered:
.L_overlay_start_1:
0x0: {  	(tag) =	ssettag $0x1  }
0x1: {  	s0 =	rddreg [dreg:$0x0]  }
0x2: {  	s1 =	rddreg [dreg:$0x1]  }
0x3: {  	s2 =	rddreg [dreg:$0x2];
	s4 =	srdreg.scid  }
0x4: {  	s3 =	simm.s32 $0x0;
	s5 =	stileid.u32;
	s7 =	simm.s32 $0x9  }
0x5: {  	s8 =	simm.s32 $0x32;
	s16 =	simm.s32 $0x200;
	s17 =	simm.s32 $0xB000  }
0x6: {  	s18 =	simm.s32 $0x280;
	s19 =	simm.s32 $0xCC00;
	s20 =	simm.s32 $0x300  }
0x7: {  	s21 =	simm.s32 $0xE800;
	s22 =	simm.s32 $0x380;
	s23 =	simm.s32 $0x10400  }
0x8: {  	s24 =	simm.s32 $0x1;
	s25 =	simm.s32 $0x2;
	s28 =	simm.s32 $0x4  }
0x9: {  	s29 =	simm.s32 $0x5;
	s30 =	simm.s32 $0x6;
	s31 =	simm.s32 $0x7  }
0xa: {  	s9 =	simm.s32 $0x0;
	s4 =	sand.u32 $0x1, s4;
	s5 =	sshll.u32 s5, $0xC  }
.Ltmp0:
0xb: {  	s6 =	sshll.u32 s4, $0xB;
	s4 =	ssub.s32 $0x2, s4;
	(pc) =	sbr.rel .LBB2_1-.Ltmp0, $4  }
0xc: {  	[smem:$0x7FF] =	sst s3;
	s5 =	sor.u32 s6, s5;
	s26 =	sshrl.u32 s4, $0x1  }
0xd: {  	_ =	strace $0x80000047;
	s2 =	sadd.s32 s5, s2;
	s6 =	ssub.s32 s4, s26  }
0xe: {  	s4 =	sadd.s32 s0, s5;
	s26 =	simm.s32 $0x3;
	s0 =	simm.s32 $0x8  }
0xf: {  	s5 =	sadd.s32 $0xE00, s2;
	s6 =	smax.u32 s6, $0x1;
	s2 =	simm.s32 $0x12000  }
.LBB2_20:
0x10: {  	s9 =	sadd.s32 $0x1, s9  }
0x11: {  	p0 =	sne.s32 s9, s6  }
.Ltmp1:
0x12: {  	_ = 	snop;
	(pc) =	sbr.rel @!p0 .LBB2_21-.Ltmp1, $4  }
0x13: {  	[hbm4b:s5+s3] =	stream.linear.scatter [tilespmem:s2], [sflag:$0x9], $0x4000, $0x38;
	[tilespmem:$0x16000] =	vst v63  }
0x14: {  	_ =	swait.ge [sflag:s7], $0x4000  }
0x15: {  	[sflag:s7] =	ssyncset.done $0x0  }
0x16: {  	[sflag:s7] =	ssyncadd.s32 $0xFFFFC000  }
.LBB2_1:
0x17: {  	[tilespmem:s3], [sflag:$0x9] =	stream.linear.gather [hbm4b:s4+s3], $0x4000, $0x38;
	[tilespmem:$0x16000] =	vst v63  }
0x18: {  	_ =	swait.ge [sflag:s7], $0x4000  }
0x19: {  	[sflag:s7] =	ssyncset.done $0x0  }
0x1a: {  	s10 =	simm.s32 $0x4000;
	[sflag:s7] =	ssyncadd.s32 $0xFFFFC000  }
0x1b: {  	[tilespmem:s10], [sflag:$0x1] =	stream.indirect.gather [hbm4b:s1+s8], $0x80, s3, s8, $0xb8;
	[tilespmem:$0x16000] =	vst v63  }
0x1c: {  	s15 =	simm.s32 $0x80;
	s11 =	simm.s32 $0x5C00  }
0x1d: {  	[tilespmem:s11], [sflag:$0x2] =	stream.indirect.gather [hbm4b:s1+s8], $0x80, s15, s8, $0xb8;
	[tilespmem:$0x16000] =	vst v63  }
0x1e: {  	s12 =	simm.s32 $0x100;
	s13 =	simm.s32 $0x7800  }
0x1f: {  	[tilespmem:s13], [sflag:$0x3] =	stream.indirect.gather [hbm4b:s1+s8], $0x80, s12, s8, $0xb8;
	[tilespmem:$0x16000] =	vst v63  }
0x20: {  	s14 =	simm.s32 $0x180;
	s15 =	simm.s32 $0x9400  }
0x21: {  	[tilespmem:s15], [sflag:$0x4] =	stream.indirect.gather [hbm4b:s1+s8], $0x80, s14, s8, $0xb8;
	[tilespmem:$0x16000] =	vst v63  }
0x22: {  	_ = 	snop  }
0x23: {  	[tilespmem:s17], [sflag:$0x5] =	stream.indirect.gather [hbm4b:s1+s8], $0x80, s16, s8, $0xb8;
	[tilespmem:$0x16000] =	vst v63  }
0x24: {  	_ = 	snop  }
0x25: {  	[tilespmem:s19], [sflag:$0x6] =	stream.indirect.gather [hbm4b:s1+s8], $0x80, s18, s8, $0xb8;
	[tilespmem:$0x16000] =	vst v63  }
0x26: {  	_ = 	snop  }
0x27: {  	[tilespmem:s21], [sflag:$0x7] =	stream.indirect.gather [hbm4b:s1+s8], $0x80, s20, s8, $0xb8;
	[tilespmem:$0x16000] =	vst v63  }
0x28: {  	s10 =	simm.s32 $0x0  }
0x29: {  	[tilespmem:s23], [sflag:$0x8] =	stream.indirect.gather [hbm4b:s1+s8], $0x80, s22, s8, $0xb8;
	[tilespmem:$0x16000] =	vst v63  }
.LBB2_2:
0x2a: {  	_ =	swait.ge [sflag:s24], $0x1900  }
0x2b: {  	[sflag:s24] =	ssyncset.done $0x0  }
0x2c: {  	s13 =	simm.s32 $0x0;
	[sflag:s24] =	ssyncadd.s32 $0xFFFFE700  }
0x2d: {  	v0 =	vld [tilespmem:s13+$0x4070]  }
0x2e: {  	v1 =	vld [tilespmem:s13+$0x4000]  }
0x2f: {  	v3 =	vld [tilespmem:s13+$0x4010]  }
0x30: {  	v12 =	vld [tilespmem:s13+$0x4020]  }
0x31: {  	v10 =	vld [tilespmem:s13+$0x4030]  }
0x32: {  	v2 =	vimm.f32 $0.0e+00;
	v6 =	vimm.f32 $0.0e+00;
	v5 =	vld [tilespmem:s13+$0x4040]  }
0x33: {  	v7 =	vimm.f32 $0.0e+00;
	v8 =	vld [tilespmem:s13+$0x4050];
	v0 =	vadd.f32 v0, v2;
	v9 =	vadd.f32 v1, v2  }
0x34: {  	s11 =	simm.s32 $0x80;
	s12 =	simm.s32 $0x400;
	v11 =	vld [tilespmem:s13+$0x4060];
	v4 =	vadd.f32 v3, v2;
	v3 =	vimm.f32 $0.0e+00;
	v1 =	vimm.f32 $0.0e+00  }
.LBB2_3:
0x35: {  	p0 =	sne.s32 s12, $0x6200;
	v13 =	vld [tilespmem:s11+$0x4070];
	v2 =	vadd.f32 v12, v2  }
0x36: {  	v14 =	vld [tilespmem:s11+$0x4000];
	v6 =	vadd.f32 v10, v6  }
0x37: {  	v15 =	vld [tilespmem:s11+$0x4010];
	v7 =	vadd.f32 v5, v7  }
.Ltmp2:
0x38: {  	v12 =	vld [tilespmem:s11+$0x4020];
	v3 =	vadd.f32 v8, v3;
	(pc) =	sbr.rel @p0 .LBB2_3-.Ltmp2, $4  }
0x39: {  	v10 =	vld [tilespmem:s11+$0x4030];
	v1 =	vadd.f32 v11, v1  }
0x3a: {  	v5 =	vld [tilespmem:s11+$0x4040];
	v0 =	vadd.f32 v13, v0  }
0x3b: {  	v9 =	vadd.f32 v14, v9;
	v8 =	vld [tilespmem:s11+$0x4050]  }
0x3c: {  	v4 =	vadd.f32 v15, v4;
	v11 =	vld [tilespmem:s11+$0x4060];
	s11 =	sshra.s32 s12, $0x2;
	s12 =	sadd.s32 $0x200, s12  }
0x3d: {  	v13 =	vld [tilespmem:s11+$0x4070]  }
0x3e: {  	v14 =	vld [tilespmem:s11+$0x4000]  }
0x3f: {  	v15 =	vld [tilespmem:s11+$0x4010]  }
0x40: {  	v16 =	vld [tilespmem:s11+$0x4020]  }
0x41: {  	v17 =	vld [tilespmem:s11+$0x4030]  }
0x42: {  	v18 =	vld [tilespmem:s11+$0x4040];
	v2 =	vadd.f32 v12, v2  }
0x43: {  	s12 =	sshll.u32 s10, $0xC;
	v6 =	vadd.f32 v10, v6;
	v10 =	vld [tilespmem:s11+$0x4060];
	v9 =	vadd.f32 v14, v9  }
0x44: {  	v12 =	vld [tilespmem:s11+$0x4050];
	s11 =	sshrl.u32 s12, $0x2;
	v4 =	vadd.f32 v15, v4  }
0x45: {  	v2 =	vadd.f32 v16, v2;
	[tilespmem:s11+$0x12000] =	vst v9  }
0x46: {  	v1 =	vadd.f32 v11, v1;
	v6 =	vadd.f32 v17, v6;
	[tilespmem:s11+$0x12010] =	vst v4  }
0x47: {  	v5 =	vadd.f32 v5, v7;
	v0 =	vadd.f32 v13, v0;
	[tilespmem:s11+$0x12020] =	vst v2  }
0x48: {  	v3 =	vadd.f32 v8, v3;
	v1 =	vadd.f32 v10, v1;
	[tilespmem:s11+$0x12030] =	vst v6  }
0x49: {  	v4 =	vadd.f32 v18, v5;
	[tilespmem:s11+$0x12070] =	vst v0  }
0x4a: {  	p0 =	seq.s32 s10, $0xF;
	v2 =	vadd.f32 v12, v3;
	[tilespmem:s11+$0x12060] =	vst v1  }
0x4b: {  	s12 =	sshrl.u32 @!p0 s12, $0x2;
	[tilespmem:s11+$0x12040] =	vst v4  }
0x4c: {  	s14 =	simm.s32 @!p0 $0x32;
	s15 =	simm.s32 @!p0 $0x4000;
	s13 =	sadd.s32 @!p0 $0x400, s12;
	[tilespmem:s11+$0x12050] =	vst v2  }
0x4d: {  	[tilespmem:s15], [sflag:$0x1] =	stream.indirect.gather @!p0 [hbm4b:s1+s14], $0x80, s13, s14, $0xb8;
	[tilespmem:$0x16000] =	vst v63  }
0x4e: {  	_ =	swait.ge [sflag:s25], $0x1900  }
0x4f: {  	[sflag:s25] =	ssyncset.done $0x0  }
0x50: {  	s15 =	simm.s32 $0x0;
	[sflag:s25] =	ssyncadd.s32 $0xFFFFE700  }
0x51: {  	v0 =	vld [tilespmem:s15+$0x5C70]  }
0x52: {  	v2 =	vld [tilespmem:s15+$0x5C00]  }
0x53: {  	v3 =	vld [tilespmem:s15+$0x5C10]  }
0x54: {  	v11 =	vld [tilespmem:s15+$0x5C20]  }
0x55: {  	v10 =	vld [tilespmem:s15+$0x5C30]  }
0x56: {  	v8 =	vimm.f32 $0.0e+00;
	v1 =	vimm.f32 $0.0e+00;
	v7 =	vld [tilespmem:s15+$0x5C40]  }
0x57: {  	v6 =	vimm.f32 $0.0e+00;
	v4 =	vimm.f32 $0.0e+00;
	v9 =	vld [tilespmem:s15+$0x5C50];
	v0 =	vadd.f32 v0, v1  }
0x58: {  	s13 =	simm.s32 $0x80;
	s14 =	simm.s32 $0x400;
	v12 =	vld [tilespmem:s15+$0x5C60];
	v5 =	vadd.f32 v2, v1;
	v3 =	vadd.f32 v3, v1;
	v2 =	vimm.f32 $0.0e+00  }
.LBB2_5:
0x59: {  	p1 =	sne.s32 s14, $0x6200;
	v13 =	vld [tilespmem:s13+$0x5C70];
	v1 =	vadd.f32 v11, v1  }
0x5a: {  	v14 =	vld [tilespmem:s13+$0x5C00];
	v6 =	vadd.f32 v10, v6  }
0x5b: {  	v15 =	vld [tilespmem:s13+$0x5C10];
	v8 =	vadd.f32 v7, v8  }
.Ltmp3:
0x5c: {  	v11 =	vld [tilespmem:s13+$0x5C20];
	v4 =	vadd.f32 v9, v4;
	(pc) =	sbr.rel @p1 .LBB2_5-.Ltmp3, $4  }
0x5d: {  	v10 =	vld [tilespmem:s13+$0x5C30];
	v2 =	vadd.f32 v12, v2  }
0x5e: {  	v7 =	vld [tilespmem:s13+$0x5C40];
	v0 =	vadd.f32 v13, v0  }
0x5f: {  	v5 =	vadd.f32 v14, v5;
	v9 =	vld [tilespmem:s13+$0x5C50]  }
0x60: {  	v3 =	vadd.f32 v15, v3;
	v12 =	vld [tilespmem:s13+$0x5C60];
	s13 =	sshra.s32 s14, $0x2;
	s14 =	sadd.s32 $0x200, s14  }
0x61: {  	v14 =	vld [tilespmem:s13+$0x5C00]  }
0x62: {  	v15 =	vld [tilespmem:s13+$0x5C10]  }
0x63: {  	v16 =	vld [tilespmem:s13+$0x5C20]  }
0x64: {  	v13 =	vld [tilespmem:s13+$0x5C70]  }
0x65: {  	v6 =	vadd.f32 v10, v6;
	v10 =	vld [tilespmem:s13+$0x5C60]  }
0x66: {  	v17 =	vld [tilespmem:s13+$0x5C30];
	v1 =	vadd.f32 v11, v1;
	v5 =	vadd.f32 v14, v5  }
0x67: {  	v18 =	vld [tilespmem:s13+$0x5C40];
	v3 =	vadd.f32 v15, v3  }
0x68: {  	v11 =	vld [tilespmem:s13+$0x5C50];
	v2 =	vadd.f32 v12, v2;
	v1 =	vadd.f32 v16, v1;
	[tilespmem:s11+$0x12080] =	vst v5  }
0x69: {  	v0 =	vadd.f32 v13, v0;
	[tilespmem:s11+$0x12090] =	vst v3  }
0x6a: {  	v7 =	vadd.f32 v7, v8;
	v2 =	vadd.f32 v10, v2;
	[tilespmem:s11+$0x120A0] =	vst v1  }
0x6b: {  	v4 =	vadd.f32 v9, v4;
	v5 =	vadd.f32 v17, v6;
	[tilespmem:s11+$0x120F0] =	vst v0  }
0x6c: {  	v3 =	vadd.f32 v18, v7;
	[tilespmem:s11+$0x120E0] =	vst v2  }
0x6d: {  	v1 =	vadd.f32 v11, v4;
	[tilespmem:s11+$0x120B0] =	vst v5  }
0x6e: {  	[tilespmem:s11+$0x120C0] =	vst v3  }
0x6f: {  	s14 =	simm.s32 @!p0 $0x32;
	s15 =	simm.s32 @!p0 $0x5C00;
	s13 =	sadd.s32 @!p0 $0x480, s12;
	[tilespmem:s11+$0x120D0] =	vst v1  }
0x70: {  	[tilespmem:s15], [sflag:$0x2] =	stream.indirect.gather @!p0 [hbm4b:s1+s14], $0x80, s13, s14, $0xb8;
	[tilespmem:$0x16000] =	vst v63  }
0x71: {  	_ =	swait.ge [sflag:s26], $0x1900  }
0x72: {  	[sflag:s26] =	ssyncset.done $0x0  }
0x73: {  	s15 =	simm.s32 $0x0;
	[sflag:s26] =	ssyncadd.s32 $0xFFFFE700  }
0x74: {  	v0 =	vld [tilespmem:s15+$0x7870]  }
0x75: {  	v2 =	vld [tilespmem:s15+$0x7800]  }
0x76: {  	v3 =	vld [tilespmem:s15+$0x7810]  }
0x77: {  	v11 =	vld [tilespmem:s15+$0x7820]  }
0x78: {  	v10 =	vld [tilespmem:s15+$0x7830]  }
0x79: {  	v8 =	vimm.f32 $0.0e+00;
	v1 =	vimm.f32 $0.0e+00;
	v7 =	vld [tilespmem:s15+$0x7840]  }
0x7a: {  	v6 =	vimm.f32 $0.0e+00;
	v4 =	vimm.f32 $0.0e+00;
	v9 =	vld [tilespmem:s15+$0x7850];
	v0 =	vadd.f32 v0, v1  }
0x7b: {  	s13 =	simm.s32 $0x80;
	s14 =	simm.s32 $0x400;
	v12 =	vld [tilespmem:s15+$0x7860];
	v5 =	vadd.f32 v2, v1;
	v3 =	vadd.f32 v3, v1;
	v2 =	vimm.f32 $0.0e+00  }
.LBB2_7:
0x7c: {  	p1 =	sne.s32 s14, $0x6200;
	v13 =	vld [tilespmem:s13+$0x7870];
	v1 =	vadd.f32 v11, v1  }
0x7d: {  	v14 =	vld [tilespmem:s13+$0x7800];
	v6 =	vadd.f32 v10, v6  }
0x7e: {  	v15 =	vld [tilespmem:s13+$0x7810];
	v8 =	vadd.f32 v7, v8  }
.Ltmp4:
0x7f: {  	v11 =	vld [tilespmem:s13+$0x7820];
	v4 =	vadd.f32 v9, v4;
	(pc) =	sbr.rel @p1 .LBB2_7-.Ltmp4, $4  }
0x80: {  	v10 =	vld [tilespmem:s13+$0x7830];
	v2 =	vadd.f32 v12, v2  }
0x81: {  	v7 =	vld [tilespmem:s13+$0x7840];
	v0 =	vadd.f32 v13, v0  }
0x82: {  	v5 =	vadd.f32 v14, v5;
	v9 =	vld [tilespmem:s13+$0x7850]  }
0x83: {  	v3 =	vadd.f32 v15, v3;
	v12 =	vld [tilespmem:s13+$0x7860];
	s13 =	sshra.s32 s14, $0x2;
	s14 =	sadd.s32 $0x200, s14  }
0x84: {  	v14 =	vld [tilespmem:s13+$0x7800]  }
0x85: {  	v15 =	vld [tilespmem:s13+$0x7810]  }
0x86: {  	v16 =	vld [tilespmem:s13+$0x7820]  }
0x87: {  	v13 =	vld [tilespmem:s13+$0x7870]  }
0x88: {  	v6 =	vadd.f32 v10, v6;
	v10 =	vld [tilespmem:s13+$0x7860]  }
0x89: {  	v17 =	vld [tilespmem:s13+$0x7830];
	v1 =	vadd.f32 v11, v1;
	v5 =	vadd.f32 v14, v5  }
0x8a: {  	v18 =	vld [tilespmem:s13+$0x7840];
	v3 =	vadd.f32 v15, v3  }
0x8b: {  	v11 =	vld [tilespmem:s13+$0x7850];
	v2 =	vadd.f32 v12, v2;
	v1 =	vadd.f32 v16, v1;
	[tilespmem:s11+$0x12100] =	vst v5  }
0x8c: {  	v0 =	vadd.f32 v13, v0;
	[tilespmem:s11+$0x12110] =	vst v3  }
0x8d: {  	v7 =	vadd.f32 v7, v8;
	v2 =	vadd.f32 v10, v2;
	[tilespmem:s11+$0x12120] =	vst v1  }
0x8e: {  	v4 =	vadd.f32 v9, v4;
	v5 =	vadd.f32 v17, v6;
	[tilespmem:s11+$0x12170] =	vst v0  }
0x8f: {  	v3 =	vadd.f32 v18, v7;
	[tilespmem:s11+$0x12160] =	vst v2  }
0x90: {  	v1 =	vadd.f32 v11, v4;
	[tilespmem:s11+$0x12130] =	vst v5  }
0x91: {  	[tilespmem:s11+$0x12140] =	vst v3  }
0x92: {  	s14 =	simm.s32 @!p0 $0x32;
	s15 =	simm.s32 @!p0 $0x7800;
	s13 =	sadd.s32 @!p0 $0x500, s12;
	[tilespmem:s11+$0x12150] =	vst v1  }
0x93: {  	[tilespmem:s15], [sflag:$0x3] =	stream.indirect.gather @!p0 [hbm4b:s1+s14], $0x80, s13, s14, $0xb8;
	[tilespmem:$0x16000] =	vst v63  }
0x94: {  	_ =	swait.ge [sflag:s28], $0x1900  }
0x95: {  	[sflag:s28] =	ssyncset.done $0x0  }
0x96: {  	s15 =	simm.s32 $0x0;
	[sflag:s28] =	ssyncadd.s32 $0xFFFFE700  }
0x97: {  	v0 =	vld [tilespmem:s15+$0x9470]  }
0x98: {  	v2 =	vld [tilespmem:s15+$0x9400]  }
0x99: {  	v3 =	vld [tilespmem:s15+$0x9410]  }
0x9a: {  	v11 =	vld [tilespmem:s15+$0x9420]  }
0x9b: {  	v10 =	vld [tilespmem:s15+$0x9430]  }
0x9c: {  	v8 =	vimm.f32 $0.0e+00;
	v1 =	vimm.f32 $0.0e+00;
	v7 =	vld [tilespmem:s15+$0x9440]  }
0x9d: {  	v6 =	vimm.f32 $0.0e+00;
	v4 =	vimm.f32 $0.0e+00;
	v9 =	vld [tilespmem:s15+$0x9450];
	v0 =	vadd.f32 v0, v1  }
0x9e: {  	s13 =	simm.s32 $0x80;
	s14 =	simm.s32 $0x400;
	v12 =	vld [tilespmem:s15+$0x9460];
	v5 =	vadd.f32 v2, v1;
	v3 =	vadd.f32 v3, v1;
	v2 =	vimm.f32 $0.0e+00  }
.LBB2_9:
0x9f: {  	p1 =	sne.s32 s14, $0x6200;
	v13 =	vld [tilespmem:s13+$0x9470];
	v1 =	vadd.f32 v11, v1  }
0xa0: {  	v14 =	vld [tilespmem:s13+$0x9400];
	v6 =	vadd.f32 v10, v6  }
0xa1: {  	v15 =	vld [tilespmem:s13+$0x9410];
	v8 =	vadd.f32 v7, v8  }
.Ltmp5:
0xa2: {  	v11 =	vld [tilespmem:s13+$0x9420];
	v4 =	vadd.f32 v9, v4;
	(pc) =	sbr.rel @p1 .LBB2_9-.Ltmp5, $4  }
0xa3: {  	v10 =	vld [tilespmem:s13+$0x9430];
	v2 =	vadd.f32 v12, v2  }
0xa4: {  	v7 =	vld [tilespmem:s13+$0x9440];
	v0 =	vadd.f32 v13, v0  }
0xa5: {  	v5 =	vadd.f32 v14, v5;
	v9 =	vld [tilespmem:s13+$0x9450]  }
0xa6: {  	v3 =	vadd.f32 v15, v3;
	v12 =	vld [tilespmem:s13+$0x9460];
	s13 =	sshra.s32 s14, $0x2;
	s14 =	sadd.s32 $0x200, s14  }
0xa7: {  	v14 =	vld [tilespmem:s13+$0x9400]  }
0xa8: {  	v15 =	vld [tilespmem:s13+$0x9410]  }
0xa9: {  	v16 =	vld [tilespmem:s13+$0x9420]  }
0xaa: {  	v13 =	vld [tilespmem:s13+$0x9470]  }
0xab: {  	v6 =	vadd.f32 v10, v6;
	v10 =	vld [tilespmem:s13+$0x9460]  }
0xac: {  	v17 =	vld [tilespmem:s13+$0x9430];
	v1 =	vadd.f32 v11, v1;
	v5 =	vadd.f32 v14, v5  }
0xad: {  	v18 =	vld [tilespmem:s13+$0x9440];
	v3 =	vadd.f32 v15, v3  }
0xae: {  	v11 =	vld [tilespmem:s13+$0x9450];
	v2 =	vadd.f32 v12, v2;
	v1 =	vadd.f32 v16, v1;
	[tilespmem:s11+$0x12180] =	vst v5  }
0xaf: {  	v0 =	vadd.f32 v13, v0;
	[tilespmem:s11+$0x12190] =	vst v3  }
0xb0: {  	v7 =	vadd.f32 v7, v8;
	v2 =	vadd.f32 v10, v2;
	[tilespmem:s11+$0x121A0] =	vst v1  }
0xb1: {  	v4 =	vadd.f32 v9, v4;
	v5 =	vadd.f32 v17, v6;
	[tilespmem:s11+$0x121F0] =	vst v0  }
0xb2: {  	v3 =	vadd.f32 v18, v7;
	[tilespmem:s11+$0x121E0] =	vst v2  }
0xb3: {  	v1 =	vadd.f32 v11, v4;
	[tilespmem:s11+$0x121B0] =	vst v5  }
0xb4: {  	[tilespmem:s11+$0x121C0] =	vst v3  }
0xb5: {  	s14 =	simm.s32 @!p0 $0x32;
	s15 =	simm.s32 @!p0 $0x9400;
	s13 =	sadd.s32 @!p0 $0x580, s12;
	[tilespmem:s11+$0x121D0] =	vst v1  }
0xb6: {  	[tilespmem:s15], [sflag:$0x4] =	stream.indirect.gather @!p0 [hbm4b:s1+s14], $0x80, s13, s14, $0xb8;
	[tilespmem:$0x16000] =	vst v63  }
0xb7: {  	_ =	swait.ge [sflag:s29], $0x1900  }
0xb8: {  	[sflag:s29] =	ssyncset.done $0x0  }
0xb9: {  	s15 =	simm.s32 $0x0;
	[sflag:s29] =	ssyncadd.s32 $0xFFFFE700  }
0xba: {  	v0 =	vld [tilespmem:s15+$0xB070]  }
0xbb: {  	v2 =	vld [tilespmem:s15+$0xB000]  }
0xbc: {  	v3 =	vld [tilespmem:s15+$0xB010]  }
0xbd: {  	v11 =	vld [tilespmem:s15+$0xB020]  }
0xbe: {  	v10 =	vld [tilespmem:s15+$0xB030]  }
0xbf: {  	v8 =	vimm.f32 $0.0e+00;
	v1 =	vimm.f32 $0.0e+00;
	v7 =	vld [tilespmem:s15+$0xB040]  }
0xc0: {  	v6 =	vimm.f32 $0.0e+00;
	v4 =	vimm.f32 $0.0e+00;
	v9 =	vld [tilespmem:s15+$0xB050];
	v0 =	vadd.f32 v0, v1  }
0xc1: {  	s13 =	simm.s32 $0x80;
	s14 =	simm.s32 $0x400;
	v12 =	vld [tilespmem:s15+$0xB060];
	v5 =	vadd.f32 v2, v1;
	v3 =	vadd.f32 v3, v1;
	v2 =	vimm.f32 $0.0e+00  }
.LBB2_11:
0xc2: {  	p1 =	sne.s32 s14, $0x6200;
	v13 =	vld [tilespmem:s13+$0xB070];
	v1 =	vadd.f32 v11, v1  }
0xc3: {  	v14 =	vld [tilespmem:s13+$0xB000];
	v6 =	vadd.f32 v10, v6  }
0xc4: {  	v15 =	vld [tilespmem:s13+$0xB010];
	v8 =	vadd.f32 v7, v8  }
.Ltmp6:
0xc5: {  	v11 =	vld [tilespmem:s13+$0xB020];
	v4 =	vadd.f32 v9, v4;
	(pc) =	sbr.rel @p1 .LBB2_11-.Ltmp6, $4  }
0xc6: {  	v10 =	vld [tilespmem:s13+$0xB030];
	v2 =	vadd.f32 v12, v2  }
0xc7: {  	v7 =	vld [tilespmem:s13+$0xB040];
	v0 =	vadd.f32 v13, v0  }
0xc8: {  	v5 =	vadd.f32 v14, v5;
	v9 =	vld [tilespmem:s13+$0xB050]  }
0xc9: {  	v3 =	vadd.f32 v15, v3;
	v12 =	vld [tilespmem:s13+$0xB060];
	s13 =	sshra.s32 s14, $0x2;
	s14 =	sadd.s32 $0x200, s14  }
0xca: {  	v14 =	vld [tilespmem:s13+$0xB000]  }
0xcb: {  	v15 =	vld [tilespmem:s13+$0xB010]  }
0xcc: {  	v16 =	vld [tilespmem:s13+$0xB020]  }
0xcd: {  	v13 =	vld [tilespmem:s13+$0xB070]  }
0xce: {  	v6 =	vadd.f32 v10, v6;
	v10 =	vld [tilespmem:s13+$0xB060]  }
0xcf: {  	v17 =	vld [tilespmem:s13+$0xB030];
	v1 =	vadd.f32 v11, v1;
	v5 =	vadd.f32 v14, v5  }
0xd0: {  	v18 =	vld [tilespmem:s13+$0xB040];
	v3 =	vadd.f32 v15, v3  }
0xd1: {  	v11 =	vld [tilespmem:s13+$0xB050];
	v2 =	vadd.f32 v12, v2;
	v1 =	vadd.f32 v16, v1;
	[tilespmem:s11+$0x12200] =	vst v5  }
0xd2: {  	v0 =	vadd.f32 v13, v0;
	[tilespmem:s11+$0x12210] =	vst v3  }
0xd3: {  	v7 =	vadd.f32 v7, v8;
	v2 =	vadd.f32 v10, v2;
	[tilespmem:s11+$0x12220] =	vst v1  }
0xd4: {  	v4 =	vadd.f32 v9, v4;
	v5 =	vadd.f32 v17, v6;
	[tilespmem:s11+$0x12270] =	vst v0  }
0xd5: {  	v3 =	vadd.f32 v18, v7;
	[tilespmem:s11+$0x12260] =	vst v2  }
0xd6: {  	v1 =	vadd.f32 v11, v4;
	[tilespmem:s11+$0x12230] =	vst v5  }
0xd7: {  	[tilespmem:s11+$0x12240] =	vst v3  }
0xd8: {  	s14 =	simm.s32 @!p0 $0x32;
	s15 =	simm.s32 @!p0 $0xB000;
	s13 =	sadd.s32 @!p0 $0x600, s12;
	[tilespmem:s11+$0x12250] =	vst v1  }
0xd9: {  	[tilespmem:s15], [sflag:$0x5] =	stream.indirect.gather @!p0 [hbm4b:s1+s14], $0x80, s13, s14, $0xb8;
	[tilespmem:$0x16000] =	vst v63  }
0xda: {  	_ =	swait.ge [sflag:s30], $0x1900  }
0xdb: {  	[sflag:s30] =	ssyncset.done $0x0  }
0xdc: {  	s15 =	simm.s32 $0x0;
	[sflag:s30] =	ssyncadd.s32 $0xFFFFE700  }
0xdd: {  	v0 =	vld [tilespmem:s15+$0xCC70]  }
0xde: {  	v2 =	vld [tilespmem:s15+$0xCC00]  }
0xdf: {  	v3 =	vld [tilespmem:s15+$0xCC10]  }
0xe0: {  	v11 =	vld [tilespmem:s15+$0xCC20]  }
0xe1: {  	v10 =	vld [tilespmem:s15+$0xCC30]  }
0xe2: {  	v8 =	vimm.f32 $0.0e+00;
	v1 =	vimm.f32 $0.0e+00;
	v7 =	vld [tilespmem:s15+$0xCC40]  }
0xe3: {  	v6 =	vimm.f32 $0.0e+00;
	v4 =	vimm.f32 $0.0e+00;
	v9 =	vld [tilespmem:s15+$0xCC50];
	v0 =	vadd.f32 v0, v1  }
0xe4: {  	s13 =	simm.s32 $0x80;
	s14 =	simm.s32 $0x400;
	v12 =	vld [tilespmem:s15+$0xCC60];
	v5 =	vadd.f32 v2, v1;
	v3 =	vadd.f32 v3, v1;
	v2 =	vimm.f32 $0.0e+00  }
.LBB2_13:
0xe5: {  	p1 =	sne.s32 s14, $0x6200;
	v13 =	vld [tilespmem:s13+$0xCC70];
	v1 =	vadd.f32 v11, v1  }
0xe6: {  	v14 =	vld [tilespmem:s13+$0xCC00];
	v6 =	vadd.f32 v10, v6  }
0xe7: {  	v15 =	vld [tilespmem:s13+$0xCC10];
	v8 =	vadd.f32 v7, v8  }
.Ltmp7:
0xe8: {  	v11 =	vld [tilespmem:s13+$0xCC20];
	v4 =	vadd.f32 v9, v4;
	(pc) =	sbr.rel @p1 .LBB2_13-.Ltmp7, $4  }
0xe9: {  	v10 =	vld [tilespmem:s13+$0xCC30];
	v2 =	vadd.f32 v12, v2  }
0xea: {  	v7 =	vld [tilespmem:s13+$0xCC40];
	v0 =	vadd.f32 v13, v0  }
0xeb: {  	v5 =	vadd.f32 v14, v5;
	v9 =	vld [tilespmem:s13+$0xCC50]  }
0xec: {  	v3 =	vadd.f32 v15, v3;
	v12 =	vld [tilespmem:s13+$0xCC60];
	s13 =	sshra.s32 s14, $0x2;
	s14 =	sadd.s32 $0x200, s14  }
0xed: {  	v14 =	vld [tilespmem:s13+$0xCC00]  }
0xee: {  	v15 =	vld [tilespmem:s13+$0xCC10]  }
0xef: {  	v16 =	vld [tilespmem:s13+$0xCC20]  }
0xf0: {  	v13 =	vld [tilespmem:s13+$0xCC70]  }
0xf1: {  	v6 =	vadd.f32 v10, v6;
	v10 =	vld [tilespmem:s13+$0xCC60]  }
0xf2: {  	v17 =	vld [tilespmem:s13+$0xCC30];
	v1 =	vadd.f32 v11, v1;
	v5 =	vadd.f32 v14, v5  }
0xf3: {  	v18 =	vld [tilespmem:s13+$0xCC40];
	v3 =	vadd.f32 v15, v3  }
0xf4: {  	v11 =	vld [tilespmem:s13+$0xCC50];
	v2 =	vadd.f32 v12, v2;
	v1 =	vadd.f32 v16, v1;
	[tilespmem:s11+$0x12280] =	vst v5  }
0xf5: {  	v0 =	vadd.f32 v13, v0;
	[tilespmem:s11+$0x12290] =	vst v3  }
0xf6: {  	v7 =	vadd.f32 v7, v8;
	v2 =	vadd.f32 v10, v2;
	[tilespmem:s11+$0x122A0] =	vst v1  }
0xf7: {  	v4 =	vadd.f32 v9, v4;
	v5 =	vadd.f32 v17, v6;
	[tilespmem:s11+$0x122F0] =	vst v0  }
0xf8: {  	v3 =	vadd.f32 v18, v7;
	[tilespmem:s11+$0x122E0] =	vst v2  }
0xf9: {  	v1 =	vadd.f32 v11, v4;
	[tilespmem:s11+$0x122B0] =	vst v5  }
0xfa: {  	[tilespmem:s11+$0x122C0] =	vst v3  }
0xfb: {  	s14 =	simm.s32 @!p0 $0x32;
	s15 =	simm.s32 @!p0 $0xCC00;
	s13 =	sadd.s32 @!p0 $0x680, s12;
	[tilespmem:s11+$0x122D0] =	vst v1  }
0xfc: {  	[tilespmem:s15], [sflag:$0x6] =	stream.indirect.gather @!p0 [hbm4b:s1+s14], $0x80, s13, s14, $0xb8;
	[tilespmem:$0x16000] =	vst v63  }
0xfd: {  	_ =	swait.ge [sflag:s31], $0x1900  }
0xfe: {  	[sflag:s31] =	ssyncset.done $0x0  }
0xff: {  	s15 =	simm.s32 $0x0;
	[sflag:s31] =	ssyncadd.s32 $0xFFFFE700  }
0x100: {  	v0 =	vld [tilespmem:s15+$0xE870]  }
0x101: {  	v2 =	vld [tilespmem:s15+$0xE800]  }
0x102: {  	v3 =	vld [tilespmem:s15+$0xE810]  }
0x103: {  	v11 =	vld [tilespmem:s15+$0xE820]  }
0x104: {  	v10 =	vld [tilespmem:s15+$0xE830]  }
0x105: {  	v8 =	vimm.f32 $0.0e+00;
	v1 =	vimm.f32 $0.0e+00;
	v7 =	vld [tilespmem:s15+$0xE840]  }
0x106: {  	v6 =	vimm.f32 $0.0e+00;
	v4 =	vimm.f32 $0.0e+00;
	v9 =	vld [tilespmem:s15+$0xE850];
	v0 =	vadd.f32 v0, v1  }
0x107: {  	s13 =	simm.s32 $0x80;
	s14 =	simm.s32 $0x400;
	v12 =	vld [tilespmem:s15+$0xE860];
	v5 =	vadd.f32 v2, v1;
	v3 =	vadd.f32 v3, v1;
	v2 =	vimm.f32 $0.0e+00  }
.LBB2_15:
0x108: {  	p1 =	sne.s32 s14, $0x6200;
	v13 =	vld [tilespmem:s13+$0xE870];
	v1 =	vadd.f32 v11, v1  }
0x109: {  	v14 =	vld [tilespmem:s13+$0xE800];
	v6 =	vadd.f32 v10, v6  }
0x10a: {  	v15 =	vld [tilespmem:s13+$0xE810];
	v8 =	vadd.f32 v7, v8  }
.Ltmp8:
0x10b: {  	v11 =	vld [tilespmem:s13+$0xE820];
	v4 =	vadd.f32 v9, v4;
	(pc) =	sbr.rel @p1 .LBB2_15-.Ltmp8, $4  }
0x10c: {  	v10 =	vld [tilespmem:s13+$0xE830];
	v2 =	vadd.f32 v12, v2  }
0x10d: {  	v7 =	vld [tilespmem:s13+$0xE840];
	v0 =	vadd.f32 v13, v0  }
0x10e: {  	v5 =	vadd.f32 v14, v5;
	v9 =	vld [tilespmem:s13+$0xE850]  }
0x10f: {  	v3 =	vadd.f32 v15, v3;
	v12 =	vld [tilespmem:s13+$0xE860];
	s13 =	sshra.s32 s14, $0x2;
	s14 =	sadd.s32 $0x200, s14  }
0x110: {  	v14 =	vld [tilespmem:s13+$0xE800]  }
0x111: {  	v15 =	vld [tilespmem:s13+$0xE810]  }
0x112: {  	v16 =	vld [tilespmem:s13+$0xE820]  }
0x113: {  	v13 =	vld [tilespmem:s13+$0xE870]  }
0x114: {  	v6 =	vadd.f32 v10, v6;
	v10 =	vld [tilespmem:s13+$0xE860]  }
0x115: {  	v17 =	vld [tilespmem:s13+$0xE830];
	v1 =	vadd.f32 v11, v1;
	v5 =	vadd.f32 v14, v5  }
0x116: {  	v18 =	vld [tilespmem:s13+$0xE840];
	v3 =	vadd.f32 v15, v3  }
0x117: {  	v11 =	vld [tilespmem:s13+$0xE850];
	v2 =	vadd.f32 v12, v2;
	v1 =	vadd.f32 v16, v1;
	[tilespmem:s11+$0x12300] =	vst v5  }
0x118: {  	v0 =	vadd.f32 v13, v0;
	[tilespmem:s11+$0x12310] =	vst v3  }
0x119: {  	v7 =	vadd.f32 v7, v8;
	v2 =	vadd.f32 v10, v2;
	[tilespmem:s11+$0x12320] =	vst v1  }
0x11a: {  	v4 =	vadd.f32 v9, v4;
	v5 =	vadd.f32 v17, v6;
	[tilespmem:s11+$0x12370] =	vst v0  }
0x11b: {  	v3 =	vadd.f32 v18, v7;
	[tilespmem:s11+$0x12360] =	vst v2  }
0x11c: {  	v1 =	vadd.f32 v11, v4;
	[tilespmem:s11+$0x12330] =	vst v5  }
0x11d: {  	[tilespmem:s11+$0x12340] =	vst v3  }
0x11e: {  	s12 =	sadd.s32 @!p0 $0x700, s12;
	s14 =	simm.s32 @!p0 $0xE800;
	s13 =	simm.s32 @!p0 $0x32;
	[tilespmem:s11+$0x12350] =	vst v1  }
0x11f: {  	[tilespmem:s14], [sflag:$0x7] =	stream.indirect.gather @!p0 [hbm4b:s1+s13], $0x80, s12, s13, $0xb8;
	[tilespmem:$0x16000] =	vst v63  }
0x120: {  	_ =	swait.ge [sflag:s0], $0x1900  }
0x121: {  	[sflag:s0] =	ssyncset.done $0x0  }
0x122: {  	s15 =	simm.s32 $0x0;
	[sflag:s0] =	ssyncadd.s32 $0xFFFFE700  }
0x123: {  	v0 =	vld [tilespmem:s15+$0x10470]  }
0x124: {  	v2 =	vld [tilespmem:s15+$0x10400]  }
0x125: {  	v3 =	vld [tilespmem:s15+$0x10410]  }
0x126: {  	v11 =	vld [tilespmem:s15+$0x10420]  }
0x127: {  	v10 =	vld [tilespmem:s15+$0x10430]  }
0x128: {  	v8 =	vimm.f32 $0.0e+00;
	v1 =	vimm.f32 $0.0e+00;
	v7 =	vld [tilespmem:s15+$0x10440]  }
0x129: {  	v6 =	vimm.f32 $0.0e+00;
	v4 =	vimm.f32 $0.0e+00;
	v9 =	vld [tilespmem:s15+$0x10450];
	v0 =	vadd.f32 v0, v1  }
0x12a: {  	s12 =	simm.s32 $0x80;
	s13 =	simm.s32 $0x400;
	v12 =	vld [tilespmem:s15+$0x10460];
	v5 =	vadd.f32 v2, v1;
	v3 =	vadd.f32 v3, v1;
	v2 =	vimm.f32 $0.0e+00  }
.LBB2_17:
0x12b: {  	p1 =	sne.s32 s13, $0x6200;
	v13 =	vld [tilespmem:s12+$0x10470];
	v1 =	vadd.f32 v11, v1  }
0x12c: {  	v14 =	vld [tilespmem:s12+$0x10400];
	v6 =	vadd.f32 v10, v6  }
0x12d: {  	v15 =	vld [tilespmem:s12+$0x10410];
	v8 =	vadd.f32 v7, v8  }
.Ltmp9:
0x12e: {  	v11 =	vld [tilespmem:s12+$0x10420];
	v4 =	vadd.f32 v9, v4;
	(pc) =	sbr.rel @p1 .LBB2_17-.Ltmp9, $4  }
0x12f: {  	v10 =	vld [tilespmem:s12+$0x10430];
	v2 =	vadd.f32 v12, v2  }
0x130: {  	v7 =	vld [tilespmem:s12+$0x10440];
	v0 =	vadd.f32 v13, v0  }
0x131: {  	v5 =	vadd.f32 v14, v5;
	v9 =	vld [tilespmem:s12+$0x10450]  }
0x132: {  	v3 =	vadd.f32 v15, v3;
	v12 =	vld [tilespmem:s12+$0x10460];
	s12 =	sshra.s32 s13, $0x2;
	s13 =	sadd.s32 $0x200, s13  }
0x133: {  	v14 =	vld [tilespmem:s12+$0x10400]  }
0x134: {  	v15 =	vld [tilespmem:s12+$0x10410]  }
0x135: {  	v16 =	vld [tilespmem:s12+$0x10420]  }
0x136: {  	v17 =	vld [tilespmem:s12+$0x10430]  }
0x137: {  	v18 =	vld [tilespmem:s12+$0x10440]  }
0x138: {  	v1 =	vadd.f32 v11, v1;
	v59 =	vld [tilespmem:s12+$0x10450];
	v5 =	vadd.f32 v14, v5  }
0x139: {  	v13 =	vld [tilespmem:s12+$0x10470];
	v6 =	vadd.f32 v10, v6;
	v3 =	vadd.f32 v15, v3  }
0x13a: {  	v60 =	vld [tilespmem:s12+$0x10460];
	v7 =	vadd.f32 v7, v8;
	v1 =	vadd.f32 v16, v1;
	[tilespmem:s11+$0x12380] =	vst v5  }
0x13b: {  	v4 =	vadd.f32 v9, v4;
	v61 =	vadd.f32 v17, v6;
	[tilespmem:s11+$0x12390] =	vst v3  }
0x13c: {  	v62 =	vadd.f32 v18, v7;
	[tilespmem:s11+$0x123A0] =	vst v1  }
.Ltmp10:
0x13d: {  	v2 =	vadd.f32 v12, v2;
	v63 =	vadd.f32 v59, v4;
	[tilespmem:s11+$0x123B0] =	vst v61;
	(pc) =	sbr.rel @p0 .LBB2_20-.Ltmp10, $4  }
0x13e: {  	v0 =	vadd.f32 v13, v0;
	[tilespmem:s11+$0x123C0] =	vst v62  }
0x13f: {  	v2 =	vadd.f32 v60, v2;
	[tilespmem:s11+$0x123D0] =	vst v63  }
0x140: {  	[tilespmem:s11+$0x123F0] =	vst v0  }
0x141: {  	[tilespmem:s11+$0x123E0] =	vst v2  }
.Ltmp11:
0x142: {  	(pc) =	sbr.rel .LBB2_2-.Ltmp11, $3  }
0x143: {  	_ =	sdelay $0x1  }
0x144: {  	s11 =	sadd.s32 $0x780, s11;
	s10 =	sadd.s32 $0x1, s10  }
0x145: {  	[tilespmem:s23], [sflag:$0x8] =	stream.indirect.gather [hbm4b:s1+s8], $0x80, s11, s8, $0xb8;
	[tilespmem:$0x16000] =	vst v63  }
.LBB2_21:
0x146: {  	_ =	sfence.sel $0x180000  }
0x147: {  	[bflag:$0x0] =	sbarrier.arrive $0xFFFF  }
0x148: {  	_ =	strace $0x90000047  }
0x149: {  	s0 =	stileid.u32;
	[bflag:$0x2] =	sbarrier.arrive $0xFFFF  }
0x14a: {  	p0 =	sne.s32 s0, $0x0;
	s0 =	rddreg [dreg:$0x3]  }
0x14b: {  	s0 =	sadd.s32 @!p0 $0x100000, s0  }
0x14c: {  	[sflag:s0] =	ssyncadd.tile.s32 @!p0 $0x1;
	_ =	shalt  }
.Lfunc_end2:
_tile_overlayer_lowered:
.L_overlay_start_2:
0x14d: {  	(tag) =	ssettag $0x2  }
0x14e: {  	s0 =	rddreg [dreg:$0x0];
	s2 =	stileid.u32  }
0x14f: {  	s1 =	rddreg [dreg:$0x1];
	p0 =	sne.s32 s2, $0x0  }
0x150: {  	s3 =	rddreg [dreg:$0x2];
	[bflag:$0x3] =	sbarrier.arrive $0xFFFF;
	s2 =	simm.s32 @!p0 $0x1C09  }
0x151: {  	[timem:s3], [sflag:s2] =	dma.local @!p0 [hbm:s0], s1  }
0x152: {  	s0 =	simm.s32 @!p0 $0x9  }
0x153: {  	_ =	swait.ge @!p0 [sflag:s0], s1  }
0x154: {  	s1 =	ssub.s32 @!p0 $0x0, s1;
	[sflag:s0] =	ssyncset.done @!p0 $0x0  }
0x155: {  	[sflag:s0] =	ssyncadd.s32 @!p0 s1  }
0x156: {  	[bflag:$0x3] =	sbarrier.arrive $0xFFFF  }
0x157: {  	_ =	shalt  }

</sc_bundles>
